<compile_context>
chip_gen: v7x
topology: tpu7x:2x2x1
jax: 0.10.2.dev20260603
libtpu: 0.0.44.dev20260713+nightly
codegen_flags: <defaults>
</compile_context>

<pallas_src>
import functools

import jax
import jax.numpy as jnp
from jax import lax
from jax.experimental import pallas as pl
from jax.experimental.pallas import tpu as pltpu
from jax.experimental.pallas import tpu_sc as plsc

F32 = jnp.float32

N = 10000
E = 320000
D_NODE = 128
D_EDGE = 16
E_OUT = 16
H = 128

NC, NS = 2, 16
NW = NC * NS
EPW = E // NW

C2 = 80
C4R = 100
NPT = 640
NPT_LAST = N - (NS - 1) * NPT

BN1 = 1000
BE3 = 1600
Q3 = BE3 // 4
BN5 = 400


def _rne_hi16(wi):
    return (wi + 32767 + ((wi >> 16) & 1)) & -65536


def _pack_pair(x):
    hi = lax.bitcast_convert_type(x[:, :H], jnp.int32)
    lo = lax.bitcast_convert_type(x[:, H:], jnp.int32)
    packed = _rne_hi16(hi) | ((_rne_hi16(lo) >> 16) & 65535)
    return lax.bitcast_convert_type(packed, F32)


def _unpack_pair(p):
    w = lax.bitcast_convert_type(p, jnp.int32)
    hi = lax.bitcast_convert_type(w & -65536, F32)
    lo = lax.bitcast_convert_type(w << 16, F32)
    return hi, lo


def _k1_body(nf_ref, ws_ref, wd_ref, p1_ref, p2_ref):
    x = nf_ref[...]
    p1_ref[...] = _pack_pair(jnp.dot(x, ws_ref[...],
                                     preferred_element_type=F32))
    p2_ref[...] = _pack_pair(jnp.dot(x, wd_ref[...],
                                     preferred_element_type=F32))


def _project_nodes(nf, ws, wd):
    return pl.pallas_call(
        _k1_body,
        grid=(N // BN1,),
        in_specs=[
            pl.BlockSpec((BN1, D_NODE), lambda i: (i, 0)),
            pl.BlockSpec((D_NODE, 2 * H), lambda i: (0, 0)),
            pl.BlockSpec((D_NODE, 2 * H), lambda i: (0, 0)),
        ],
        out_specs=[
            pl.BlockSpec((BN1, H), lambda i: (i, 0)),
            pl.BlockSpec((BN1, H), lambda i: (i, 0)),
        ],
        out_shape=[
            jax.ShapeDtypeStruct((N, H), F32),
            jax.ShapeDtypeStruct((N, H), F32),
        ],
    )(nf, ws, wd)


def _k2_body(p1, p2, src, dst, pre1, pre2, sidx_v, didx_v,
             rows_a0, rows_a1, rows_b0, rows_b1,
             gs_a0, gs_a1, gs_b0, gs_b1, ws_a0, ws_a1, ws_b0, ws_b1):
    c = lax.axis_index("c")
    s = lax.axis_index("s")
    wid = s * NC + c
    base0 = wid * EPW
    pltpu.sync_copy(src.at[pl.ds(base0, EPW)], sidx_v)
    pltpu.sync_copy(dst.at[pl.ds(base0, EPW)], didx_v)

    bufs = ((rows_a0, rows_a1), (rows_b0, rows_b1))
    gsems = ((gs_a0, gs_a1), (gs_b0, gs_b1))
    wsems = ((ws_a0, ws_a1), (ws_b0, ws_b1))
    tables = (p1, p2)
    outs = (pre1, pre2)
    idxs = (sidx_v, didx_v)
    nchunks = EPW // C2

    def fire_gather(i, t, r):
        pltpu.async_copy(tables[t].at[idxs[t].at[pl.ds(i * C2, C2)]],
                         bufs[t][r], gsems[t][r])

    def wait_gather(i, t, r):
        pltpu.make_async_copy(tables[t].at[idxs[t].at[pl.ds(i * C2, C2)]],
                              bufs[t][r], gsems[t][r]).wait()

    def fire_write(i, t, r):
        pltpu.async_copy(bufs[t][r], outs[t].at[pl.ds(base0 + i * C2, C2)],
                         wsems[t][r])

    def wait_write(i, t, r):
        pltpu.make_async_copy(bufs[t][r],
                              outs[t].at[pl.ds(base0 + i * C2, C2)],
                              wsems[t][r]).wait()

    def do_chunk(i, r):
        for t in range(2):
            wait_gather(i, t, r)
            fire_write(i, t, r)

        @pl.when(i + 2 < nchunks)
        def _():
            for t in range(2):
                wait_write(i, t, r)
            for t in range(2):
                fire_gather(i + 2, t, r)

    for t in range(2):
        fire_gather(0, t, 0)
    for t in range(2):
        fire_gather(1, t, 1)

    def step(i, carry):
        @pl.when(i % 2 == 0)
        def _():
            do_chunk(i, 0)

        @pl.when(i % 2 == 1)
        def _():
            do_chunk(i, 1)
        return carry

    lax.fori_loop(0, nchunks, step, 0)
    for t in range(2):
        wait_write(nchunks - 2, t, (nchunks - 2) % 2)
        wait_write(nchunks - 1, t, (nchunks - 1) % 2)


def _gather_edges(p1, p2, src, dst):
    mesh = plsc.VectorSubcoreMesh(core_axis_name="c", subcore_axis_name="s")
    f = functools.partial(
        pl.kernel,
        out_type=(
            jax.ShapeDtypeStruct((E, H), F32),
            jax.ShapeDtypeStruct((E, H), F32),
        ),
        mesh=mesh,
        scratch_types=(
            [pltpu.VMEM((EPW,), jnp.int32)] * 2
            + [pltpu.VMEM((C2, H), F32)] * 4
            + [pltpu.SemaphoreType.DMA] * 8
        ),
    )(_k2_body)
    return f(p1, p2, src, dst)


def _k3_body(pre1, pre2, ef, wec, bc, w2c, b2c, uef_o, mpx_o):
    hi1, lo1 = _unpack_pair(pre1[...])
    hi2, lo2 = _unpack_pair(pre2[...])
    pre = jnp.concatenate([hi1 + hi2, lo1 + lo2], axis=1)
    h = (pre
         + jnp.dot(ef[...], wec[...], preferred_element_type=F32) + bc[...])
    h = jnp.maximum(h, 0.0)
    out = jnp.dot(h, w2c[...], preferred_element_type=F32) + b2c[...]
    ex = jnp.exp(out[:, D_EDGE:D_EDGE + 1])
    lane = lax.broadcasted_iota(jnp.int32, (BE3, 32), 1)
    uef_o[...] = out[:, :E_OUT]
    mpx = jnp.where(
        lane < E_OUT, out * ex,
        jnp.where(lane == E_OUT, ex,
                  jnp.where(lane == E_OUT + 1, 1.0, 0.0)))
    mpx_o[...] = jnp.concatenate(
        [mpx[:Q3], mpx[Q3:2 * Q3], mpx[2 * Q3:3 * Q3], mpx[3 * Q3:]],
        axis=1)


def _edge_mlps(pre1, pre2, ef, wec, bc, w2c, b2c):
    return pl.pallas_call(
        _k3_body,
        grid=(E // BE3,),
        in_specs=[
            pl.BlockSpec((BE3, H), lambda i: (i, 0)),
            pl.BlockSpec((BE3, H), lambda i: (i, 0)),
            pl.BlockSpec((BE3, D_EDGE), lambda i: (i, 0)),
            pl.BlockSpec((D_EDGE, 2 * H), lambda i: (0, 0)),
            pl.BlockSpec((1, 2 * H), lambda i: (0, 0)),
            pl.BlockSpec((2 * H, 32), lambda i: (0, 0)),
            pl.BlockSpec((1, 32), lambda i: (0, 0)),
        ],
        out_specs=[
            pl.BlockSpec((BE3, E_OUT), lambda i: (i, 0)),
            pl.BlockSpec((Q3, 128), lambda i: (i, 0)),
        ],
        out_shape=[
            jax.ShapeDtypeStruct((E, E_OUT), F32),
            jax.ShapeDtypeStruct((E // 4, 128), F32),
        ],
    )(pre1, pre2, ef, wec, bc, w2c, b2c)


def _k4_body(dst4, mpx4, zacc, accs, idx3,
             rows_00, rows_01, rows_02, rows_03,
             rows_10, rows_11, rows_12, rows_13,
             ls_0, ls_1, ss_0, ss_1, acc_sh):
    c = lax.axis_index("c")
    s = lax.axis_index("s")
    wid = s * NC + c
    rbase0 = wid * (EPW // 4)
    nchunks = (EPW // 4) // C4R
    off = s * NPT

    @pl.when(s < NS - 1)
    def _():
        pltpu.sync_copy(zacc.at[c, pl.ds(off, NPT)],
                        acc_sh.at[pl.ds(off, NPT)])

    @pl.when(s == NS - 1)
    def _():
        pltpu.sync_copy(zacc.at[c, pl.ds(off, NPT_LAST)],
                        acc_sh.at[pl.ds(off, NPT_LAST)])

    pltpu.sync_copy(dst4.at[wid], idx3)
    plsc.subcore_barrier()

    bufs = ((rows_00, rows_01, rows_02, rows_03),
            (rows_10, rows_11, rows_12, rows_13))
    lsems = (ls_0, ls_1)
    ssems = (ss_0, ss_1)

    def fire_loads(i, r):
        for g in range(4):
            pltpu.async_copy(
                mpx4.at[pl.ds(rbase0 + i * C4R, C4R), pl.ds(32 * g, 32)],
                bufs[r][g], lsems[r])

    def wait_loads(i, r):
        for g in range(4):
            pltpu.make_async_copy(
                mpx4.at[pl.ds(rbase0 + i * C4R, C4R), pl.ds(32 * g, 32)],
                bufs[r][g], lsems[r]).wait()

    def fire_scatters(i, r):
        for g in range(4):
            pltpu.async_copy(bufs[r][g], acc_sh.at[idx3.at[i, g]],
                             ssems[r], add=True)

    def wait_scatters(i, r):
        for g in range(4):
            pltpu.make_async_copy(bufs[r][g], acc_sh.at[idx3.at[i, g]],
                                  ssems[r]).wait()

    fire_loads(0, 0)
    fire_loads(1, 1)

    def do_chunk(i, r):
        wait_loads(i, r)
        fire_scatters(i, r)

        @pl.when(i + 2 < nchunks)
        def _():
            wait_scatters(i, r)
            fire_loads(i + 2, r)

    def step(i, carry):
        @pl.when(i % 2 == 0)
        def _():
            do_chunk(i, 0)

        @pl.when(i % 2 == 1)
        def _():
            do_chunk(i, 1)
        return carry

    lax.fori_loop(0, nchunks, step, 0)
    wait_scatters(nchunks - 2, (nchunks - 2) % 2)
    wait_scatters(nchunks - 1, (nchunks - 1) % 2)
    plsc.subcore_barrier()

    @pl.when(s < NS - 1)
    def _():
        pltpu.sync_copy(acc_sh.at[pl.ds(off, NPT)],
                        accs.at[c, pl.ds(off, NPT)])

    @pl.when(s == NS - 1)
    def _():
        pltpu.sync_copy(acc_sh.at[pl.ds(off, NPT_LAST)],
                        accs.at[c, pl.ds(off, NPT_LAST)])


def _segment_reduce(dst4, mpx4, zacc):
    mesh = plsc.VectorSubcoreMesh(core_axis_name="c", subcore_axis_name="s")
    f = functools.partial(
        pl.kernel,
        out_type=jax.ShapeDtypeStruct((NC, N, 32), F32),
        mesh=mesh,
        scratch_types=(
            [pltpu.VMEM(((EPW // 4) // C4R, 4, C4R), jnp.int32)]
            + [pltpu.VMEM((C4R, 32), F32)] * 8
            + [pltpu.SemaphoreType.DMA] * 4
            + [pltpu.VMEM_SHARED((N, 32), F32)]
        ),
        compiler_params=pltpu.CompilerParams(use_tc_tiling_on_sc=False),
    )(_k4_body)
    return f(dst4, mpx4, zacc)


def _k5_body(accs, nf, w1a, w1b, w2, b1, b2, out):
    a = accs[0] + accs[1]
    agg = a[:, :E_OUT]
    sm = a[:, E_OUT:E_OUT + 1]
    deg = a[:, E_OUT + 1:E_OUT + 2]
    denom = jnp.where(deg > 0.5, sm * deg, 1.0)
    aggm = agg / denom
    hn = jnp.maximum(
        jnp.dot(aggm, w1a[...], preferred_element_type=F32)
        + jnp.dot(nf[...], w1b[...], preferred_element_type=F32) + b1[...],
        0.0)
    out[...] = jnp.dot(hn, w2[...], preferred_element_type=F32) + b2[...]


def _node_mlp(accs, nf, w1a, w1b, w2, b1, b2):
    return pl.pallas_call(
        _k5_body,
        grid=(N // BN5,),
        in_specs=[
            pl.BlockSpec((NC, BN5, 32), lambda i: (0, i, 0)),
            pl.BlockSpec((BN5, D_NODE), lambda i: (i, 0)),
            pl.BlockSpec((E_OUT, H), lambda i: (0, 0)),
            pl.BlockSpec((D_NODE, H), lambda i: (0, 0)),
            pl.BlockSpec((H, D_NODE), lambda i: (0, 0)),
            pl.BlockSpec((1, H), lambda i: (0, 0)),
            pl.BlockSpec((1, D_NODE), lambda i: (0, 0)),
        ],
        out_specs=pl.BlockSpec((BN5, D_NODE), lambda i: (i, 0)),
        out_shape=jax.ShapeDtypeStruct((N, D_NODE), F32),
    )(accs, nf, w1a, w1b, w2, b1, b2)


def kernel(nf, ef, edge_index, eW1, eb1, eW2, eb2, aW1, ab1, aW2, ab2,
           nW1, nb1, nW2, nb2):
    src = edge_index[0]
    dst = edge_index[1]
    ws = jnp.concatenate([eW1[D_EDGE:D_EDGE + D_NODE],
                          aW1[D_EDGE:D_EDGE + D_NODE]], axis=1)
    wd = jnp.concatenate([eW1[D_EDGE + D_NODE:],
                          aW1[D_EDGE + D_NODE:]], axis=1)
    wec = jnp.concatenate([eW1[:D_EDGE], aW1[:D_EDGE]], axis=1)
    bc = jnp.concatenate([eb1, ab1]).reshape(1, 2 * H)

    w2c = jnp.zeros((2 * H, 32), F32)
    w2c = w2c.at[:H, :E_OUT].set(eW2)
    w2c = w2c.at[H:, E_OUT:E_OUT + 1].set(aW2)
    b2c = jnp.zeros((32,), F32)
    b2c = b2c.at[:E_OUT].set(eb2)
    b2c = b2c.at[E_OUT].set(ab2[0])
    b2c = b2c.at[E_OUT + 1].set(1.0)
    b2c = b2c.reshape(1, 32)

    p1, p2 = _project_nodes(nf, ws, wd)
    pre1, pre2 = _gather_edges(p1, p2, src, dst)
    uef, mpx = _edge_mlps(pre1, pre2, ef, wec, bc, w2c, b2c)
    zacc = jnp.zeros((NC, N, 32), F32)
    dstq = (dst.reshape(E // BE3, 4, Q3).transpose(0, 2, 1)
            .reshape(E // 4, 4))
    dst4k = (dstq.reshape(NW, (EPW // 4) // C4R, C4R, 4)
             .transpose(0, 1, 3, 2))
    accs = _segment_reduce(dst4k, mpx, zacc)
    unf = _node_mlp(accs, nf, nW1[:E_OUT], nW1[E_OUT:], nW2,
                    nb1.reshape(1, H), nb2.reshape(1, D_NODE))
    return (unf, uef)

# --- scband reference (transcript-rebuilt; emitter-appended) ---
"""Pipeline reference for scband-mpnnlayer-41308995452949 (READ-ONLY COPY).

The authoritative reference and input builder live on the scoring server;
editing this copy changes nothing except your own understanding.
"""

import jax, jax.numpy as jnp
import numpy as np

N = 10000
E = 320000
D_NODE = 128
D_EDGE = 16
E_OUT = 16
N_OUT = 128
H = 128


def _mlp(x, W1, b1, W2, b2):
    return jax.nn.relu(x @ W1 + b1) @ W2 + b2


def setup_inputs(seed: int = 0) -> dict:
    key = jax.random.key(seed)
    ks = jax.random.split(key, 16)
    in_e = D_EDGE + 2 * D_NODE
    in_n = E_OUT + D_NODE
    inp = {}
    inp['nf'] = jax.random.normal(ks[0], (N, D_NODE), dtype=jnp.float32)
    inp['ef'] = jax.random.normal(ks[1], (E, D_EDGE), dtype=jnp.float32)
    inp['edge_index'] = jax.random.randint(ks[2], (2, E), 0, N, dtype=jnp.int32)
    s = 0.05
    inp['eW1'] = jax.random.normal(ks[3], (in_e, H), dtype=jnp.float32) * s
    inp['eb1'] = jnp.zeros((H,), dtype=jnp.float32)
    inp['eW2'] = jax.random.normal(ks[4], (H, E_OUT), dtype=jnp.float32) * s
    inp['eb2'] = jnp.zeros((E_OUT,), dtype=jnp.float32)
    inp['aW1'] = jax.random.normal(ks[5], (in_e, H), dtype=jnp.float32) * s
    inp['ab1'] = jnp.zeros((H,), dtype=jnp.float32)
    inp['aW2'] = jax.random.normal(ks[6], (H, 1), dtype=jnp.float32) * s
    inp['ab2'] = jnp.zeros((1,), dtype=jnp.float32)
    inp['nW1'] = jax.random.normal(ks[7], (in_n, H), dtype=jnp.float32) * s
    inp['nb1'] = jnp.zeros((H,), dtype=jnp.float32)
    inp['nW2'] = jax.random.normal(ks[8], (H, N_OUT), dtype=jnp.float32) * s
    inp['nb2'] = jnp.zeros((N_OUT,), dtype=jnp.float32)
    return inp


def reference(nf, ef, edge_index, eW1, eb1, eW2, eb2, aW1, ab1, aW2, ab2, nW1, nb1, nW2, nb2):
    n_nodes = nf.shape[0]
    src = edge_index[0]
    dst = edge_index[1]
    # edge update: concat [ef, sender_nf, receiver_nf]
    em_input = jnp.concatenate([ef, nf[src], nf[dst]], axis=-1)
    uef = _mlp(em_input, eW1, eb1, eW2, eb2)
    # attention logits + edge softmax over incoming edges per dst node
    logits = _mlp(em_input, aW1, ab1, aW2, ab2)
    mx = jax.ops.segment_max(logits, dst, num_segments=n_nodes)
    mx = jnp.where(jnp.isfinite(mx), mx, 0.0)
    ex = jnp.exp(logits - mx[dst])
    sm = jax.ops.segment_sum(ex, dst, num_segments=n_nodes)
    attn = ex / sm[dst]
    # message = uef * attn, mean-aggregated per dst node
    m = uef * attn
    agg = jax.ops.segment_sum(m, dst, num_segments=n_nodes)
    deg = jax.ops.segment_sum(jnp.ones((dst.shape[0], 1), dtype=nf.dtype), dst, num_segments=n_nodes)
    agg_m = agg / jnp.maximum(deg, 1.0)
    # node update
    nm_input = jnp.concatenate([agg_m, nf], axis=-1)
    unf = _mlp(nm_input, nW1, nb1, nW2, nb2)
    return (unf, uef)

if __name__ == "__main__":
    import jax
    _d = setup_inputs()
    print(jax.jit(kernel)(*tuple(_d.values())))

</pallas_src>

<mosaic_0001>
#map = affine_map<(d0, d1) -> (0, 0, 0, 0)>
#map1 = affine_map<(d0, d1) -> (0, 0)>
#map2 = affine_map<(d0, d1) -> (0, 0, 0)>
module attributes {stable_mosaic.version = 14 : i64} {
  func.func @_k4_body(%arg0: i32, %arg1: i32, %arg2: memref<32x25x4x100xi32, #tpu.memory_space<hbm>>, %arg3: memref<80000x128xf32, #tpu.memory_space<hbm>>, %arg4: memref<2x10000x32xf32, #tpu.memory_space<hbm>>, %arg5: memref<2x10000x32xf32, #tpu.memory_space<hbm>>, %arg6: memref<25x4x100xi32, #tpu.memory_space<vmem>>, %arg7: memref<100x32xf32, #tpu.memory_space<vmem>>, %arg8: memref<100x32xf32, #tpu.memory_space<vmem>>, %arg9: memref<100x32xf32, #tpu.memory_space<vmem>>, %arg10: memref<100x32xf32, #tpu.memory_space<vmem>>, %arg11: memref<100x32xf32, #tpu.memory_space<vmem>>, %arg12: memref<100x32xf32, #tpu.memory_space<vmem>>, %arg13: memref<100x32xf32, #tpu.memory_space<vmem>>, %arg14: memref<100x32xf32, #tpu.memory_space<vmem>>, %arg15: memref<!tpu.dma_semaphore, #tpu.memory_space<semaphore_mem>>, %arg16: memref<!tpu.dma_semaphore, #tpu.memory_space<semaphore_mem>>, %arg17: memref<!tpu.dma_semaphore, #tpu.memory_space<semaphore_mem>>, %arg18: memref<!tpu.dma_semaphore, #tpu.memory_space<semaphore_mem>>, %arg19: memref<10000x32xf32, #tpu.memory_space<vmem_shared>>) attributes {dimension_semantics = [#tpu.dimension_semantics<core_parallel>, #tpu.dimension_semantics<subcore_parallel>], iteration_bounds = array<i64: 2, 16>, scalar_prefetch = 0 : i64, scratch_operands = 14 : i64, tpu.core_type = #tpu.core_type<sc_vector_subcore>, window_params = [{transform_indices = #map}, {transform_indices = #map1}, {transform_indices = #map2}, {transform_indices = #map2}]} {
    %mul3A = arith.constant 2 : i32
    %mul3A_0 = arith.muli %arg1, %mul3A : i32
    %add3A = arith.addi %mul3A_0, %arg0 : i32
    %mul3A_1 = arith.constant 2500 : i32
    %mul3A_2 = arith.muli %add3A, %mul3A_1 : i32
    %mul3A_3 = arith.constant 640 : i32
    %mul3A_4 = arith.muli %arg1, %mul3A_3 : i32
    %lt3A = arith.constant 15 : i32
    %lt3A_5 = arith.cmpi slt, %arg1, %lt3A : i32
    %convert_element_type3A = arith.extui %lt3A_5 : i1 to i32
    %cond3A = arith.constant 0 : i32
    %cond3A_6 = arith.cmpi ne, %convert_element_type3A, %cond3A : i32
    scf.if %cond3A_6 {
      "tpu.region"() ({
        %run_scoped3A = tpu.sem_alloc : memref<!tpu.dma_semaphore, #tpu.memory_space<semaphore_mem>>
        %dma_start3A_137 = arith.constant 0 : i32
        %dma_start3A_138 = tpu.memref_slice %arg19[%mul3A_4, %dma_start3A_137] : memref<10000x32xf32, #tpu.memory_space<vmem_shared>> -> memref<640x32xf32, #tpu.memory_space<vmem_shared>>
        %dma_start3A_139 = arith.constant 0 : i32
        %dma_start3A_140 = tpu.memref_slice %arg4[%arg0, %mul3A_4, %dma_start3A_139] : memref<2x10000x32xf32, #tpu.memory_space<hbm>> -> memref<1x640x32xf32, #tpu.memory_space<hbm>>
        %dma_start3A_141 = tpu.memref_squeeze %dma_start3A_140 : memref<1x640x32xf32, #tpu.memory_space<hbm>> -> memref<640x32xf32, #tpu.memory_space<hbm>>
        tpu.enqueue_dma source(%dma_start3A_141 : memref<640x32xf32, #tpu.memory_space<hbm>>) target(%dma_start3A_138 : memref<640x32xf32, #tpu.memory_space<vmem_shared>>) target_semaphore(%run_scoped3A : memref<!tpu.dma_semaphore, #tpu.memory_space<semaphore_mem>>)
        %dma_wait3A_142 = arith.constant 0 : i32
        %dma_wait3A_143 = tpu.memref_slice %arg19[%mul3A_4, %dma_wait3A_142] : memref<10000x32xf32, #tpu.memory_space<vmem_shared>> -> memref<640x32xf32, #tpu.memory_space<vmem_shared>>
        %dma_wait3A_144 = arith.constant 0 : i32
        %dma_wait3A_145 = tpu.memref_slice %arg4[%arg0, %mul3A_4, %dma_wait3A_144] : memref<2x10000x32xf32, #tpu.memory_space<hbm>> -> memref<1x640x32xf32, #tpu.memory_space<hbm>>
        %dma_wait3A_146 = tpu.memref_squeeze %dma_wait3A_145 : memref<1x640x32xf32, #tpu.memory_space<hbm>> -> memref<640x32xf32, #tpu.memory_space<hbm>>
        tpu.wait_dma2 semaphore(%run_scoped3A : memref<!tpu.dma_semaphore, #tpu.memory_space<semaphore_mem>>) src(%dma_wait3A_146 : memref<640x32xf32, #tpu.memory_space<hbm>>) dst(%dma_wait3A_143 : memref<640x32xf32, #tpu.memory_space<vmem_shared>>)
        tpu.yield
      }) : () -> ()
    } else {
    }
    %eq3A = arith.constant 15 : i32
    %eq3A_7 = arith.cmpi eq, %arg1, %eq3A : i32
    %convert_element_type3A_8 = arith.extui %eq3A_7 : i1 to i32
    %cond3A_9 = arith.constant 0 : i32
    %cond3A_10 = arith.cmpi ne, %convert_element_type3A_8, %cond3A_9 : i32
    scf.if %cond3A_10 {
      "tpu.region"() ({
        %run_scoped3A = tpu.sem_alloc : memref<!tpu.dma_semaphore, #tpu.memory_space<semaphore_mem>>
        %dma_start3A_137 = arith.constant 0 : i32
        %dma_start3A_138 = tpu.memref_slice %arg19[%mul3A_4, %dma_start3A_137] : memref<10000x32xf32, #tpu.memory_space<vmem_shared>> -> memref<400x32xf32, #tpu.memory_space<vmem_shared>>
        %dma_start3A_139 = arith.constant 0 : i32
        %dma_start3A_140 = tpu.memref_slice %arg4[%arg0, %mul3A_4, %dma_start3A_139] : memref<2x10000x32xf32, #tpu.memory_space<hbm>> -> memref<1x400x32xf32, #tpu.memory_space<hbm>>
        %dma_start3A_141 = tpu.memref_squeeze %dma_start3A_140 : memref<1x400x32xf32, #tpu.memory_space<hbm>> -> memref<400x32xf32, #tpu.memory_space<hbm>>
        tpu.enqueue_dma source(%dma_start3A_141 : memref<400x32xf32, #tpu.memory_space<hbm>>) target(%dma_start3A_138 : memref<400x32xf32, #tpu.memory_space<vmem_shared>>) target_semaphore(%run_scoped3A : memref<!tpu.dma_semaphore, #tpu.memory_space<semaphore_mem>>)
        %dma_wait3A_142 = arith.constant 0 : i32
        %dma_wait3A_143 = tpu.memref_slice %arg19[%mul3A_4, %dma_wait3A_142] : memref<10000x32xf32, #tpu.memory_space<vmem_shared>> -> memref<400x32xf32, #tpu.memory_space<vmem_shared>>
        %dma_wait3A_144 = arith.constant 0 : i32
        %dma_wait3A_145 = tpu.memref_slice %arg4[%arg0, %mul3A_4, %dma_wait3A_144] : memref<2x10000x32xf32, #tpu.memory_space<hbm>> -> memref<1x400x32xf32, #tpu.memory_space<hbm>>
        %dma_wait3A_146 = tpu.memref_squeeze %dma_wait3A_145 : memref<1x400x32xf32, #tpu.memory_space<hbm>> -> memref<400x32xf32, #tpu.memory_space<hbm>>
        tpu.wait_dma2 semaphore(%run_scoped3A : memref<!tpu.dma_semaphore, #tpu.memory_space<semaphore_mem>>) src(%dma_wait3A_146 : memref<400x32xf32, #tpu.memory_space<hbm>>) dst(%dma_wait3A_143 : memref<400x32xf32, #tpu.memory_space<vmem_shared>>)
        tpu.yield
      }) : () -> ()
    } else {
    }
    "tpu.region"() ({
      %run_scoped3A = tpu.sem_alloc : memref<!tpu.dma_semaphore, #tpu.memory_space<semaphore_mem>>
      %dma_start3A_137 = arith.constant 0 : i32
      %dma_start3A_138 = arith.constant 0 : i32
      %dma_start3A_139 = arith.constant 0 : i32
      %dma_start3A_140 = tpu.memref_slice %arg2[%add3A, %dma_start3A_137, %dma_start3A_138, %dma_start3A_139] : memref<32x25x4x100xi32, #tpu.memory_space<hbm>> -> memref<1x25x4x100xi32, #tpu.memory_space<hbm>>
      %dma_start3A_141 = tpu.memref_squeeze %dma_start3A_140 : memref<1x25x4x100xi32, #tpu.memory_space<hbm>> -> memref<25x4x100xi32, #tpu.memory_space<hbm>>
      %dma_start3A_142 = arith.constant 0 : i32
      %dma_start3A_143 = arith.constant 0 : i32
      %dma_start3A_144 = arith.constant 0 : i32
      %dma_start3A_145 = tpu.memref_slice %arg2[%add3A, %dma_start3A_142, %dma_start3A_143, %dma_start3A_144] : memref<32x25x4x100xi32, #tpu.memory_space<hbm>> -> memref<1x25x4x100xi32, #tpu.memory_space<hbm>>
      %dma_start3A_146 = tpu.memref_squeeze %dma_start3A_145 : memref<1x25x4x100xi32, #tpu.memory_space<hbm>> -> memref<25x4x100xi32, #tpu.memory_space<hbm>>
      tpu.enqueue_dma source(%dma_start3A_146 : memref<25x4x100xi32, #tpu.memory_space<hbm>>) target(%arg6 : memref<25x4x100xi32, #tpu.memory_space<vmem>>) target_semaphore(%run_scoped3A : memref<!tpu.dma_semaphore, #tpu.memory_space<semaphore_mem>>)
      %dma_wait3A_147 = arith.constant 0 : i32
      %dma_wait3A_148 = arith.constant 0 : i32
      %dma_wait3A_149 = arith.constant 0 : i32
      %dma_wait3A_150 = tpu.memref_slice %arg2[%add3A, %dma_wait3A_147, %dma_wait3A_148, %dma_wait3A_149] : memref<32x25x4x100xi32, #tpu.memory_space<hbm>> -> memref<1x25x4x100xi32, #tpu.memory_space<hbm>>
      %dma_wait3A_151 = tpu.memref_squeeze %dma_wait3A_150 : memref<1x25x4x100xi32, #tpu.memory_space<hbm>> -> memref<25x4x100xi32, #tpu.memory_space<hbm>>
      %dma_wait3A_152 = arith.constant 0 : i32
      %dma_wait3A_153 = arith.constant 0 : i32
      %dma_wait3A_154 = arith.constant 0 : i32
      %dma_wait3A_155 = tpu.memref_slice %arg2[%add3A, %dma_wait3A_152, %dma_wait3A_153, %dma_wait3A_154] : memref<32x25x4x100xi32, #tpu.memory_space<hbm>> -> memref<1x25x4x100xi32, #tpu.memory_space<hbm>>
      %dma_wait3A_156 = tpu.memref_squeeze %dma_wait3A_155 : memref<1x25x4x100xi32, #tpu.memory_space<hbm>> -> memref<25x4x100xi32, #tpu.memory_space<hbm>>
      tpu.wait_dma2 semaphore(%run_scoped3A : memref<!tpu.dma_semaphore, #tpu.memory_space<semaphore_mem>>) src(%dma_wait3A_156 : memref<25x4x100xi32, #tpu.memory_space<hbm>>) dst(%arg6 : memref<25x4x100xi32, #tpu.memory_space<vmem>>)
      tpu.yield
    }) : () -> ()
    %barrier3A = arith.constant 0 : index
    tpu.barrier barrier_id(%barrier3A)
    %add3A_11 = arith.constant 0 : i32
    %add3A_12 = arith.addi %mul3A_2, %add3A_11 : i32
    %dma_start3A = arith.constant 0 : i32
    %dma_start3A_13 = tpu.memref_slice %arg3[%add3A_12, %dma_start3A] : memref<80000x128xf32, #tpu.memory_space<hbm>> -> memref<100x32xf32, #tpu.memory_space<hbm>>
    %dma_start3A_14 = arith.constant 0 : i32
    %dma_start3A_15 = tpu.memref_slice %arg3[%add3A_12, %dma_start3A_14] : memref<80000x128xf32, #tpu.memory_space<hbm>> -> memref<100x32xf32, #tpu.memory_space<hbm>>
    tpu.enqueue_dma source(%dma_start3A_15 : memref<100x32xf32, #tpu.memory_space<hbm>>) target(%arg7 : memref<100x32xf32, #tpu.memory_space<vmem>>) target_semaphore(%arg15 : memref<!tpu.dma_semaphore, #tpu.memory_space<semaphore_mem>>)
    %add3A_16 = arith.constant 0 : i32
    %add3A_17 = arith.addi %mul3A_2, %add3A_16 : i32
    %dma_start3A_18 = arith.constant 32 : i32
    %dma_start3A_19 = tpu.memref_slice %arg3[%add3A_17, %dma_start3A_18] : memref<80000x128xf32, #tpu.memory_space<hbm>> -> memref<100x32xf32, #tpu.memory_space<hbm>>
    %dma_start3A_20 = arith.constant 32 : i32
    %dma_start3A_21 = tpu.memref_slice %arg3[%add3A_17, %dma_start3A_20] : memref<80000x128xf32, #tpu.memory_space<hbm>> -> memref<100x32xf32, #tpu.memory_space<hbm>>
    tpu.enqueue_dma source(%dma_start3A_21 : memref<100x32xf32, #tpu.memory_space<hbm>>) target(%arg8 : memref<100x32xf32, #tpu.memory_space<vmem>>) target_semaphore(%arg15 : memref<!tpu.dma_semaphore, #tpu.memory_space<semaphore_mem>>)
    %add3A_22 = arith.constant 0 : i32
    %add3A_23 = arith.addi %mul3A_2, %add3A_22 : i32
    %dma_start3A_24 = arith.constant 64 : i32
    %dma_start3A_25 = tpu.memref_slice %arg3[%add3A_23, %dma_start3A_24] : memref<80000x128xf32, #tpu.memory_space<hbm>> -> memref<100x32xf32, #tpu.memory_space<hbm>>
    %dma_start3A_26 = arith.constant 64 : i32
    %dma_start3A_27 = tpu.memref_slice %arg3[%add3A_23, %dma_start3A_26] : memref<80000x128xf32, #tpu.memory_space<hbm>> -> memref<100x32xf32, #tpu.memory_space<hbm>>
    tpu.enqueue_dma source(%dma_start3A_27 : memref<100x32xf32, #tpu.memory_space<hbm>>) target(%arg9 : memref<100x32xf32, #tpu.memory_space<vmem>>) target_semaphore(%arg15 : memref<!tpu.dma_semaphore, #tpu.memory_space<semaphore_mem>>)
    %add3A_28 = arith.constant 0 : i32
    %add3A_29 = arith.addi %mul3A_2, %add3A_28 : i32
    %dma_start3A_30 = arith.constant 96 : i32
    %dma_start3A_31 = tpu.memref_slice %arg3[%add3A_29, %dma_start3A_30] : memref<80000x128xf32, #tpu.memory_space<hbm>> -> memref<100x32xf32, #tpu.memory_space<hbm>>
    %dma_start3A_32 = arith.constant 96 : i32
    %dma_start3A_33 = tpu.memref_slice %arg3[%add3A_29, %dma_start3A_32] : memref<80000x128xf32, #tpu.memory_space<hbm>> -> memref<100x32xf32, #tpu.memory_space<hbm>>
    tpu.enqueue_dma source(%dma_start3A_33 : memref<100x32xf32, #tpu.memory_space<hbm>>) target(%arg10 : memref<100x32xf32, #tpu.memory_space<vmem>>) target_semaphore(%arg15 : memref<!tpu.dma_semaphore, #tpu.memory_space<semaphore_mem>>)
    %add3A_34 = arith.constant 100 : i32
    %add3A_35 = arith.addi %mul3A_2, %add3A_34 : i32
    %dma_start3A_36 = arith.constant 0 : i32
    %dma_start3A_37 = tpu.memref_slice %arg3[%add3A_35, %dma_start3A_36] : memref<80000x128xf32, #tpu.memory_space<hbm>> -> memref<100x32xf32, #tpu.memory_space<hbm>>
    %dma_start3A_38 = arith.constant 0 : i32
    %dma_start3A_39 = tpu.memref_slice %arg3[%add3A_35, %dma_start3A_38] : memref<80000x128xf32, #tpu.memory_space<hbm>> -> memref<100x32xf32, #tpu.memory_space<hbm>>
    tpu.enqueue_dma source(%dma_start3A_39 : memref<100x32xf32, #tpu.memory_space<hbm>>) target(%arg11 : memref<100x32xf32, #tpu.memory_space<vmem>>) target_semaphore(%arg16 : memref<!tpu.dma_semaphore, #tpu.memory_space<semaphore_mem>>)
    %add3A_40 = arith.constant 100 : i32
    %add3A_41 = arith.addi %mul3A_2, %add3A_40 : i32
    %dma_start3A_42 = arith.constant 32 : i32
    %dma_start3A_43 = tpu.memref_slice %arg3[%add3A_41, %dma_start3A_42] : memref<80000x128xf32, #tpu.memory_space<hbm>> -> memref<100x32xf32, #tpu.memory_space<hbm>>
    %dma_start3A_44 = arith.constant 32 : i32
    %dma_start3A_45 = tpu.memref_slice %arg3[%add3A_41, %dma_start3A_44] : memref<80000x128xf32, #tpu.memory_space<hbm>> -> memref<100x32xf32, #tpu.memory_space<hbm>>
    tpu.enqueue_dma source(%dma_start3A_45 : memref<100x32xf32, #tpu.memory_space<hbm>>) target(%arg12 : memref<100x32xf32, #tpu.memory_space<vmem>>) target_semaphore(%arg16 : memref<!tpu.dma_semaphore, #tpu.memory_space<semaphore_mem>>)
    %add3A_46 = arith.constant 100 : i32
    %add3A_47 = arith.addi %mul3A_2, %add3A_46 : i32
    %dma_start3A_48 = arith.constant 64 : i32
    %dma_start3A_49 = tpu.memref_slice %arg3[%add3A_47, %dma_start3A_48] : memref<80000x128xf32, #tpu.memory_space<hbm>> -> memref<100x32xf32, #tpu.memory_space<hbm>>
    %dma_start3A_50 = arith.constant 64 : i32
    %dma_start3A_51 = tpu.memref_slice %arg3[%add3A_47, %dma_start3A_50] : memref<80000x128xf32, #tpu.memory_space<hbm>> -> memref<100x32xf32, #tpu.memory_space<hbm>>
    tpu.enqueue_dma source(%dma_start3A_51 : memref<100x32xf32, #tpu.memory_space<hbm>>) target(%arg13 : memref<100x32xf32, #tpu.memory_space<vmem>>) target_semaphore(%arg16 : memref<!tpu.dma_semaphore, #tpu.memory_space<semaphore_mem>>)
    %add3A_52 = arith.constant 100 : i32
    %add3A_53 = arith.addi %mul3A_2, %add3A_52 : i32
    %dma_start3A_54 = arith.constant 96 : i32
    %dma_start3A_55 = tpu.memref_slice %arg3[%add3A_53, %dma_start3A_54] : memref<80000x128xf32, #tpu.memory_space<hbm>> -> memref<100x32xf32, #tpu.memory_space<hbm>>
    %dma_start3A_56 = arith.constant 96 : i32
    %dma_start3A_57 = tpu.memref_slice %arg3[%add3A_53, %dma_start3A_56] : memref<80000x128xf32, #tpu.memory_space<hbm>> -> memref<100x32xf32, #tpu.memory_space<hbm>>
    tpu.enqueue_dma source(%dma_start3A_57 : memref<100x32xf32, #tpu.memory_space<hbm>>) target(%arg14 : memref<100x32xf32, #tpu.memory_space<vmem>>) target_semaphore(%arg16 : memref<!tpu.dma_semaphore, #tpu.memory_space<semaphore_mem>>)
    %scan3A = arith.constant 0 : i32
    %scan3A_58 = arith.constant 0 : i32
    %scan3A_59 = arith.constant 25 : i32
    %scan3A_60 = arith.addi %scan3A_58, %scan3A_59 : i32
    %scan3A_61 = arith.constant 1 : i32
    scf.for %scan3A_137 = %scan3A_58 to %scan3A_60 step %scan3A_61  : i32 {
      %jit3A = arith.constant 2 : i32
      %eq3A_138 = arith.constant 0 : i32
      %eq3A_139 = arith.cmpi eq, %jit3A, %eq3A_138 : i32
      %jit3A_140 = arith.constant 1 : i32
      %select_n3A = arith.select %eq3A_139, %jit3A_140, %jit3A : i32
      %rem3A = arith.remsi %scan3A_137, %select_n3A : i32
      %ne3A = arith.constant 0 : i32
      %ne3A_141 = arith.cmpi ne, %rem3A, %ne3A : i32
      %lt3A_142 = arith.constant 0 : i32
      %lt3A_143 = arith.cmpi slt, %rem3A, %lt3A_142 : i32
      %lt3A_144 = arith.constant 0 : i32
      %lt3A_145 = arith.cmpi slt, %select_n3A, %lt3A_144 : i32
      %ne3A_146 = arith.xori %lt3A_143, %lt3A_145 : i1
      %and3A = arith.andi %ne3A_146, %ne3A_141 : i1
      %add3A_147 = arith.addi %rem3A, %select_n3A : i32
      %select_n3A_148 = arith.select %and3A, %add3A_147, %rem3A : i32
      %eq3A_149 = arith.constant 0 : i32
      %eq3A_150 = arith.cmpi eq, %select_n3A_148, %eq3A_149 : i32
      %convert_element_type3A_151 = arith.extui %eq3A_150 : i1 to i32
      %cond3A_152 = arith.constant 0 : i32
      %cond3A_153 = arith.cmpi ne, %convert_element_type3A_151, %cond3A_152 : i32
      scf.if %cond3A_153 {
        %mul3A_175 = arith.constant 100 : i32
        %mul3A_176 = arith.muli %scan3A_137, %mul3A_175 : i32
        %add3A_177 = arith.addi %mul3A_2, %mul3A_176 : i32
        %dma_wait3A_178 = arith.constant 0 : i32
        %dma_wait3A_179 = tpu.memref_slice %arg3[%add3A_177, %dma_wait3A_178] : memref<80000x128xf32, #tpu.memory_space<hbm>> -> memref<100x32xf32, #tpu.memory_space<hbm>>
        %dma_wait3A_180 = arith.constant 0 : i32
        %dma_wait3A_181 = tpu.memref_slice %arg3[%add3A_177, %dma_wait3A_180] : memref<80000x128xf32, #tpu.memory_space<hbm>> -> memref<100x32xf32, #tpu.memory_space<hbm>>
        tpu.wait_dma2 semaphore(%arg15 : memref<!tpu.dma_semaphore, #tpu.memory_space<semaphore_mem>>) src(%dma_wait3A_181 : memref<100x32xf32, #tpu.memory_space<hbm>>) dst(%arg7 : memref<100x32xf32, #tpu.memory_space<vmem>>)
        %mul3A_182 = arith.constant 100 : i32
        %mul3A_183 = arith.muli %scan3A_137, %mul3A_182 : i32
        %add3A_184 = arith.addi %mul3A_2, %mul3A_183 : i32
        %dma_wait3A_185 = arith.constant 32 : i32
        %dma_wait3A_186 = tpu.memref_slice %arg3[%add3A_184, %dma_wait3A_185] : memref<80000x128xf32, #tpu.memory_space<hbm>> -> memref<100x32xf32, #tpu.memory_space<hbm>>
        %dma_wait3A_187 = arith.constant 32 : i32
        %dma_wait3A_188 = tpu.memref_slice %arg3[%add3A_184, %dma_wait3A_187] : memref<80000x128xf32, #tpu.memory_space<hbm>> -> memref<100x32xf32, #tpu.memory_space<hbm>>
        tpu.wait_dma2 semaphore(%arg15 : memref<!tpu.dma_semaphore, #tpu.memory_space<semaphore_mem>>) src(%dma_wait3A_188 : memref<100x32xf32, #tpu.memory_space<hbm>>) dst(%arg8 : memref<100x32xf32, #tpu.memory_space<vmem>>)
        %mul3A_189 = arith.constant 100 : i32
        %mul3A_190 = arith.muli %scan3A_137, %mul3A_189 : i32
        %add3A_191 = arith.addi %mul3A_2, %mul3A_190 : i32
        %dma_wait3A_192 = arith.constant 64 : i32
        %dma_wait3A_193 = tpu.memref_slice %arg3[%add3A_191, %dma_wait3A_192] : memref<80000x128xf32, #tpu.memory_space<hbm>> -> memref<100x32xf32, #tpu.memory_space<hbm>>
        %dma_wait3A_194 = arith.constant 64 : i32
        %dma_wait3A_195 = tpu.memref_slice %arg3[%add3A_191, %dma_wait3A_194] : memref<80000x128xf32, #tpu.memory_space<hbm>> -> memref<100x32xf32, #tpu.memory_space<hbm>>
        tpu.wait_dma2 semaphore(%arg15 : memref<!tpu.dma_semaphore, #tpu.memory_space<semaphore_mem>>) src(%dma_wait3A_195 : memref<100x32xf32, #tpu.memory_space<hbm>>) dst(%arg9 : memref<100x32xf32, #tpu.memory_space<vmem>>)
        %mul3A_196 = arith.constant 100 : i32
        %mul3A_197 = arith.muli %scan3A_137, %mul3A_196 : i32
        %add3A_198 = arith.addi %mul3A_2, %mul3A_197 : i32
        %dma_wait3A_199 = arith.constant 96 : i32
        %dma_wait3A_200 = tpu.memref_slice %arg3[%add3A_198, %dma_wait3A_199] : memref<80000x128xf32, #tpu.memory_space<hbm>> -> memref<100x32xf32, #tpu.memory_space<hbm>>
        %dma_wait3A_201 = arith.constant 96 : i32
        %dma_wait3A_202 = tpu.memref_slice %arg3[%add3A_198, %dma_wait3A_201] : memref<80000x128xf32, #tpu.memory_space<hbm>> -> memref<100x32xf32, #tpu.memory_space<hbm>>
        tpu.wait_dma2 semaphore(%arg15 : memref<!tpu.dma_semaphore, #tpu.memory_space<semaphore_mem>>) src(%dma_wait3A_202 : memref<100x32xf32, #tpu.memory_space<hbm>>) dst(%arg10 : memref<100x32xf32, #tpu.memory_space<vmem>>)
        %dma_start3A_203 = arith.constant 0 : i32
        %dma_start3A_204 = arith.constant 0 : i32
        %dma_start3A_205 = tpu.memref_slice %arg6[%scan3A_137, %dma_start3A_203, %dma_start3A_204] : memref<25x4x100xi32, #tpu.memory_space<vmem>> -> memref<1x1x100xi32, #tpu.memory_space<vmem>>
        %dma_start3A_206 = tpu.memref_squeeze %dma_start3A_205 : memref<1x1x100xi32, #tpu.memory_space<vmem>> -> memref<100xi32, #tpu.memory_space<vmem>>
        %dma_start3A_207 = arith.constant 0 : i32
        %dma_start3A_208 = arith.constant 0 : i32
        %dma_start3A_209 = tpu.memref_slice %arg19[%dma_start3A_207, %dma_start3A_208] : memref<10000x32xf32, #tpu.memory_space<vmem_shared>> -> memref<10000x32xf32, #tpu.memory_space<vmem_shared>>
        tpu.enqueue_indirect_dma source(%arg7 : memref<100x32xf32, #tpu.memory_space<vmem>>) target(%dma_start3A_209 : memref<10000x32xf32, #tpu.memory_space<vmem_shared>>) offsets(%dma_start3A_206 : memref<100xi32, #tpu.memory_space<vmem>>) semaphore(%arg17 : memref<!tpu.dma_semaphore, #tpu.memory_space<semaphore_mem>>) {add = true}
        %dma_start3A_210 = arith.constant 1 : i32
        %dma_start3A_211 = arith.constant 0 : i32
        %dma_start3A_212 = tpu.memref_slice %arg6[%scan3A_137, %dma_start3A_210, %dma_start3A_211] : memref<25x4x100xi32, #tpu.memory_space<vmem>> -> memref<1x1x100xi32, #tpu.memory_space<vmem>>
        %dma_start3A_213 = tpu.memref_squeeze %dma_start3A_212 : memref<1x1x100xi32, #tpu.memory_space<vmem>> -> memref<100xi32, #tpu.memory_space<vmem>>
        %dma_start3A_214 = arith.constant 0 : i32
        %dma_start3A_215 = arith.constant 0 : i32
        %dma_start3A_216 = tpu.memref_slice %arg19[%dma_start3A_214, %dma_start3A_215] : memref<10000x32xf32, #tpu.memory_space<vmem_shared>> -> memref<10000x32xf32, #tpu.memory_space<vmem_shared>>
        tpu.enqueue_indirect_dma source(%arg8 : memref<100x32xf32, #tpu.memory_space<vmem>>) target(%dma_start3A_216 : memref<10000x32xf32, #tpu.memory_space<vmem_shared>>) offsets(%dma_start3A_213 : memref<100xi32, #tpu.memory_space<vmem>>) semaphore(%arg17 : memref<!tpu.dma_semaphore, #tpu.memory_space<semaphore_mem>>) {add = true}
        %dma_start3A_217 = arith.constant 2 : i32
        %dma_start3A_218 = arith.constant 0 : i32
        %dma_start3A_219 = tpu.memref_slice %arg6[%scan3A_137, %dma_start3A_217, %dma_start3A_218] : memref<25x4x100xi32, #tpu.memory_space<vmem>> -> memref<1x1x100xi32, #tpu.memory_space<vmem>>
        %dma_start3A_220 = tpu.memref_squeeze %dma_start3A_219 : memref<1x1x100xi32, #tpu.memory_space<vmem>> -> memref<100xi32, #tpu.memory_space<vmem>>
        %dma_start3A_221 = arith.constant 0 : i32
        %dma_start3A_222 = arith.constant 0 : i32
        %dma_start3A_223 = tpu.memref_slice %arg19[%dma_start3A_221, %dma_start3A_222] : memref<10000x32xf32, #tpu.memory_space<vmem_shared>> -> memref<10000x32xf32, #tpu.memory_space<vmem_shared>>
        tpu.enqueue_indirect_dma source(%arg9 : memref<100x32xf32, #tpu.memory_space<vmem>>) target(%dma_start3A_223 : memref<10000x32xf32, #tpu.memory_space<vmem_shared>>) offsets(%dma_start3A_220 : memref<100xi32, #tpu.memory_space<vmem>>) semaphore(%arg17 : memref<!tpu.dma_semaphore, #tpu.memory_space<semaphore_mem>>) {add = true}
        %dma_start3A_224 = arith.constant 3 : i32
        %dma_start3A_225 = arith.constant 0 : i32
        %dma_start3A_226 = tpu.memref_slice %arg6[%scan3A_137, %dma_start3A_224, %dma_start3A_225] : memref<25x4x100xi32, #tpu.memory_space<vmem>> -> memref<1x1x100xi32, #tpu.memory_space<vmem>>
        %dma_start3A_227 = tpu.memref_squeeze %dma_start3A_226 : memref<1x1x100xi32, #tpu.memory_space<vmem>> -> memref<100xi32, #tpu.memory_space<vmem>>
        %dma_start3A_228 = arith.constant 0 : i32
        %dma_start3A_229 = arith.constant 0 : i32
        %dma_start3A_230 = tpu.memref_slice %arg19[%dma_start3A_228, %dma_start3A_229] : memref<10000x32xf32, #tpu.memory_space<vmem_shared>> -> memref<10000x32xf32, #tpu.memory_space<vmem_shared>>
        tpu.enqueue_indirect_dma source(%arg10 : memref<100x32xf32, #tpu.memory_space<vmem>>) target(%dma_start3A_230 : memref<10000x32xf32, #tpu.memory_space<vmem_shared>>) offsets(%dma_start3A_227 : memref<100xi32, #tpu.memory_space<vmem>>) semaphore(%arg17 : memref<!tpu.dma_semaphore, #tpu.memory_space<semaphore_mem>>) {add = true}
        %add3A_231 = arith.constant 2 : i32
        %add3A_232 = arith.addi %scan3A_137, %add3A_231 : i32
        %lt3A_233 = arith.constant 25 : i32
        %lt3A_234 = arith.cmpi slt, %add3A_232, %lt3A_233 : i32
        %convert_element_type3A_235 = arith.extui %lt3A_234 : i1 to i32
        %cond3A_236 = arith.constant 0 : i32
        %cond3A_237 = arith.cmpi ne, %convert_element_type3A_235, %cond3A_236 : i32
        scf.if %cond3A_237 {
          %dma_wait3A_238 = arith.constant 0 : i32
          %dma_wait3A_239 = arith.constant 0 : i32
          %dma_wait3A_240 = tpu.memref_slice %arg6[%scan3A_137, %dma_wait3A_238, %dma_wait3A_239] : memref<25x4x100xi32, #tpu.memory_space<vmem>> -> memref<1x1x100xi32, #tpu.memory_space<vmem>>
          %dma_wait3A_241 = tpu.memref_squeeze %dma_wait3A_240 : memref<1x1x100xi32, #tpu.memory_space<vmem>> -> memref<100xi32, #tpu.memory_space<vmem>>
          %dma_wait3A_242 = arith.constant 0 : i32
          %dma_wait3A_243 = arith.constant 0 : i32
          %dma_wait3A_244 = tpu.memref_slice %arg19[%dma_wait3A_242, %dma_wait3A_243] : memref<10000x32xf32, #tpu.memory_space<vmem_shared>> -> memref<10000x32xf32, #tpu.memory_space<vmem_shared>>
          tpu.wait_indirect_dma semaphore(%arg17 : memref<!tpu.dma_semaphore, #tpu.memory_space<semaphore_mem>>) src(%arg7 : memref<100x32xf32, #tpu.memory_space<vmem>>) dst(%dma_wait3A_244 : memref<10000x32xf32, #tpu.memory_space<vmem_shared>>)
          %dma_wait3A_245 = arith.constant 1 : i32
          %dma_wait3A_246 = arith.constant 0 : i32
          %dma_wait3A_247 = tpu.memref_slice %arg6[%scan3A_137, %dma_wait3A_245, %dma_wait3A_246] : memref<25x4x100xi32, #tpu.memory_space<vmem>> -> memref<1x1x100xi32, #tpu.memory_space<vmem>>
          %dma_wait3A_248 = tpu.memref_squeeze %dma_wait3A_247 : memref<1x1x100xi32, #tpu.memory_space<vmem>> -> memref<100xi32, #tpu.memory_space<vmem>>
          %dma_wait3A_249 = arith.constant 0 : i32
          %dma_wait3A_250 = arith.constant 0 : i32
          %dma_wait3A_251 = tpu.memref_slice %arg19[%dma_wait3A_249, %dma_wait3A_250] : memref<10000x32xf32, #tpu.memory_space<vmem_shared>> -> memref<10000x32xf32, #tpu.memory_space<vmem_shared>>
          tpu.wait_indirect_dma semaphore(%arg17 : memref<!tpu.dma_semaphore, #tpu.memory_space<semaphore_mem>>) src(%arg8 : memref<100x32xf32, #tpu.memory_space<vmem>>) dst(%dma_wait3A_251 : memref<10000x32xf32, #tpu.memory_space<vmem_shared>>)
          %dma_wait3A_252 = arith.constant 2 : i32
          %dma_wait3A_253 = arith.constant 0 : i32
          %dma_wait3A_254 = tpu.memref_slice %arg6[%scan3A_137, %dma_wait3A_252, %dma_wait3A_253] : memref<25x4x100xi32, #tpu.memory_space<vmem>> -> memref<1x1x100xi32, #tpu.memory_space<vmem>>
          %dma_wait3A_255 = tpu.memref_squeeze %dma_wait3A_254 : memref<1x1x100xi32, #tpu.memory_space<vmem>> -> memref<100xi32, #tpu.memory_space<vmem>>
          %dma_wait3A_256 = arith.constant 0 : i32
          %dma_wait3A_257 = arith.constant 0 : i32
          %dma_wait3A_258 = tpu.memref_slice %arg19[%dma_wait3A_256, %dma_wait3A_257] : memref<10000x32xf32, #tpu.memory_space<vmem_shared>> -> memref<10000x32xf32, #tpu.memory_space<vmem_shared>>
          tpu.wait_indirect_dma semaphore(%arg17 : memref<!tpu.dma_semaphore, #tpu.memory_space<semaphore_mem>>) src(%arg9 : memref<100x32xf32, #tpu.memory_space<vmem>>) dst(%dma_wait3A_258 : memref<10000x32xf32, #tpu.memory_space<vmem_shared>>)
          %dma_wait3A_259 = arith.constant 3 : i32
          %dma_wait3A_260 = arith.constant 0 : i32
          %dma_wait3A_261 = tpu.memref_slice %arg6[%scan3A_137, %dma_wait3A_259, %dma_wait3A_260] : memref<25x4x100xi32, #tpu.memory_space<vmem>> -> memref<1x1x100xi32, #tpu.memory_space<vmem>>
          %dma_wait3A_262 = tpu.memref_squeeze %dma_wait3A_261 : memref<1x1x100xi32, #tpu.memory_space<vmem>> -> memref<100xi32, #tpu.memory_space<vmem>>
          %dma_wait3A_263 = arith.constant 0 : i32
          %dma_wait3A_264 = arith.constant 0 : i32
          %dma_wait3A_265 = tpu.memref_slice %arg19[%dma_wait3A_263, %dma_wait3A_264] : memref<10000x32xf32, #tpu.memory_space<vmem_shared>> -> memref<10000x32xf32, #tpu.memory_space<vmem_shared>>
          tpu.wait_indirect_dma semaphore(%arg17 : memref<!tpu.dma_semaphore, #tpu.memory_space<semaphore_mem>>) src(%arg10 : memref<100x32xf32, #tpu.memory_space<vmem>>) dst(%dma_wait3A_265 : memref<10000x32xf32, #tpu.memory_space<vmem_shared>>)
          %add3A_266 = arith.constant 2 : i32
          %add3A_267 = arith.addi %scan3A_137, %add3A_266 : i32
          %mul3A_268 = arith.constant 100 : i32
          %mul3A_269 = arith.muli %add3A_267, %mul3A_268 : i32
          %add3A_270 = arith.addi %mul3A_2, %mul3A_269 : i32
          %dma_start3A_271 = arith.constant 0 : i32
          %dma_start3A_272 = tpu.memref_slice %arg3[%add3A_270, %dma_start3A_271] : memref<80000x128xf32, #tpu.memory_space<hbm>> -> memref<100x32xf32, #tpu.memory_space<hbm>>
          %dma_start3A_273 = arith.constant 0 : i32
          %dma_start3A_274 = tpu.memref_slice %arg3[%add3A_270, %dma_start3A_273] : memref<80000x128xf32, #tpu.memory_space<hbm>> -> memref<100x32xf32, #tpu.memory_space<hbm>>
          tpu.enqueue_dma source(%dma_start3A_274 : memref<100x32xf32, #tpu.memory_space<hbm>>) target(%arg7 : memref<100x32xf32, #tpu.memory_space<vmem>>) target_semaphore(%arg15 : memref<!tpu.dma_semaphore, #tpu.memory_space<semaphore_mem>>)
          %mul3A_275 = arith.constant 100 : i32
          %mul3A_276 = arith.muli %add3A_267, %mul3A_275 : i32
          %add3A_277 = arith.addi %mul3A_2, %mul3A_276 : i32
          %dma_start3A_278 = arith.constant 32 : i32
          %dma_start3A_279 = tpu.memref_slice %arg3[%add3A_277, %dma_start3A_278] : memref<80000x128xf32, #tpu.memory_space<hbm>> -> memref<100x32xf32, #tpu.memory_space<hbm>>
          %dma_start3A_280 = arith.constant 32 : i32
          %dma_start3A_281 = tpu.memref_slice %arg3[%add3A_277, %dma_start3A_280] : memref<80000x128xf32, #tpu.memory_space<hbm>> -> memref<100x32xf32, #tpu.memory_space<hbm>>
          tpu.enqueue_dma source(%dma_start3A_281 : memref<100x32xf32, #tpu.memory_space<hbm>>) target(%arg8 : memref<100x32xf32, #tpu.memory_space<vmem>>) target_semaphore(%arg15 : memref<!tpu.dma_semaphore, #tpu.memory_space<semaphore_mem>>)
          %mul3A_282 = arith.constant 100 : i32
          %mul3A_283 = arith.muli %add3A_267, %mul3A_282 : i32
          %add3A_284 = arith.addi %mul3A_2, %mul3A_283 : i32
          %dma_start3A_285 = arith.constant 64 : i32
          %dma_start3A_286 = tpu.memref_slice %arg3[%add3A_284, %dma_start3A_285] : memref<80000x128xf32, #tpu.memory_space<hbm>> -> memref<100x32xf32, #tpu.memory_space<hbm>>
          %dma_start3A_287 = arith.constant 64 : i32
          %dma_start3A_288 = tpu.memref_slice %arg3[%add3A_284, %dma_start3A_287] : memref<80000x128xf32, #tpu.memory_space<hbm>> -> memref<100x32xf32, #tpu.memory_space<hbm>>
          tpu.enqueue_dma source(%dma_start3A_288 : memref<100x32xf32, #tpu.memory_space<hbm>>) target(%arg9 : memref<100x32xf32, #tpu.memory_space<vmem>>) target_semaphore(%arg15 : memref<!tpu.dma_semaphore, #tpu.memory_space<semaphore_mem>>)
          %mul3A_289 = arith.constant 100 : i32
          %mul3A_290 = arith.muli %add3A_267, %mul3A_289 : i32
          %add3A_291 = arith.addi %mul3A_2, %mul3A_290 : i32
          %dma_start3A_292 = arith.constant 96 : i32
          %dma_start3A_293 = tpu.memref_slice %arg3[%add3A_291, %dma_start3A_292] : memref<80000x128xf32, #tpu.memory_space<hbm>> -> memref<100x32xf32, #tpu.memory_space<hbm>>
          %dma_start3A_294 = arith.constant 96 : i32
          %dma_start3A_295 = tpu.memref_slice %arg3[%add3A_291, %dma_start3A_294] : memref<80000x128xf32, #tpu.memory_space<hbm>> -> memref<100x32xf32, #tpu.memory_space<hbm>>
          tpu.enqueue_dma source(%dma_start3A_295 : memref<100x32xf32, #tpu.memory_space<hbm>>) target(%arg10 : memref<100x32xf32, #tpu.memory_space<vmem>>) target_semaphore(%arg15 : memref<!tpu.dma_semaphore, #tpu.memory_space<semaphore_mem>>)
        } else {
        }
      } else {
      }
      %jit3A_154 = arith.constant 2 : i32
      %eq3A_155 = arith.constant 0 : i32
      %eq3A_156 = arith.cmpi eq, %jit3A_154, %eq3A_155 : i32
      %jit3A_157 = arith.constant 1 : i32
      %select_n3A_158 = arith.select %eq3A_156, %jit3A_157, %jit3A_154 : i32
      %rem3A_159 = arith.remsi %scan3A_137, %select_n3A_158 : i32
      %ne3A_160 = arith.constant 0 : i32
      %ne3A_161 = arith.cmpi ne, %rem3A_159, %ne3A_160 : i32
      %lt3A_162 = arith.constant 0 : i32
      %lt3A_163 = arith.cmpi slt, %rem3A_159, %lt3A_162 : i32
      %lt3A_164 = arith.constant 0 : i32
      %lt3A_165 = arith.cmpi slt, %select_n3A_158, %lt3A_164 : i32
      %ne3A_166 = arith.xori %lt3A_163, %lt3A_165 : i1
      %and3A_167 = arith.andi %ne3A_166, %ne3A_161 : i1
      %add3A_168 = arith.addi %rem3A_159, %select_n3A_158 : i32
      %select_n3A_169 = arith.select %and3A_167, %add3A_168, %rem3A_159 : i32
      %eq3A_170 = arith.constant 1 : i32
      %eq3A_171 = arith.cmpi eq, %select_n3A_169, %eq3A_170 : i32
      %convert_element_type3A_172 = arith.extui %eq3A_171 : i1 to i32
      %cond3A_173 = arith.constant 0 : i32
      %cond3A_174 = arith.cmpi ne, %convert_element_type3A_172, %cond3A_173 : i32
      scf.if %cond3A_174 {
        %mul3A_175 = arith.constant 100 : i32
        %mul3A_176 = arith.muli %scan3A_137, %mul3A_175 : i32
        %add3A_177 = arith.addi %mul3A_2, %mul3A_176 : i32
        %dma_wait3A_178 = arith.constant 0 : i32
        %dma_wait3A_179 = tpu.memref_slice %arg3[%add3A_177, %dma_wait3A_178] : memref<80000x128xf32, #tpu.memory_space<hbm>> -> memref<100x32xf32, #tpu.memory_space<hbm>>
        %dma_wait3A_180 = arith.constant 0 : i32
        %dma_wait3A_181 = tpu.memref_slice %arg3[%add3A_177, %dma_wait3A_180] : memref<80000x128xf32, #tpu.memory_space<hbm>> -> memref<100x32xf32, #tpu.memory_space<hbm>>
        tpu.wait_dma2 semaphore(%arg16 : memref<!tpu.dma_semaphore, #tpu.memory_space<semaphore_mem>>) src(%dma_wait3A_181 : memref<100x32xf32, #tpu.memory_space<hbm>>) dst(%arg11 : memref<100x32xf32, #tpu.memory_space<vmem>>)
        %mul3A_182 = arith.constant 100 : i32
        %mul3A_183 = arith.muli %scan3A_137, %mul3A_182 : i32
        %add3A_184 = arith.addi %mul3A_2, %mul3A_183 : i32
        %dma_wait3A_185 = arith.constant 32 : i32
        %dma_wait3A_186 = tpu.memref_slice %arg3[%add3A_184, %dma_wait3A_185] : memref<80000x128xf32, #tpu.memory_space<hbm>> -> memref<100x32xf32, #tpu.memory_space<hbm>>
        %dma_wait3A_187 = arith.constant 32 : i32
        %dma_wait3A_188 = tpu.memref_slice %arg3[%add3A_184, %dma_wait3A_187] : memref<80000x128xf32, #tpu.memory_space<hbm>> -> memref<100x32xf32, #tpu.memory_space<hbm>>
        tpu.wait_dma2 semaphore(%arg16 : memref<!tpu.dma_semaphore, #tpu.memory_space<semaphore_mem>>) src(%dma_wait3A_188 : memref<100x32xf32, #tpu.memory_space<hbm>>) dst(%arg12 : memref<100x32xf32, #tpu.memory_space<vmem>>)
        %mul3A_189 = arith.constant 100 : i32
        %mul3A_190 = arith.muli %scan3A_137, %mul3A_189 : i32
        %add3A_191 = arith.addi %mul3A_2, %mul3A_190 : i32
        %dma_wait3A_192 = arith.constant 64 : i32
        %dma_wait3A_193 = tpu.memref_slice %arg3[%add3A_191, %dma_wait3A_192] : memref<80000x128xf32, #tpu.memory_space<hbm>> -> memref<100x32xf32, #tpu.memory_space<hbm>>
        %dma_wait3A_194 = arith.constant 64 : i32
        %dma_wait3A_195 = tpu.memref_slice %arg3[%add3A_191, %dma_wait3A_194] : memref<80000x128xf32, #tpu.memory_space<hbm>> -> memref<100x32xf32, #tpu.memory_space<hbm>>
        tpu.wait_dma2 semaphore(%arg16 : memref<!tpu.dma_semaphore, #tpu.memory_space<semaphore_mem>>) src(%dma_wait3A_195 : memref<100x32xf32, #tpu.memory_space<hbm>>) dst(%arg13 : memref<100x32xf32, #tpu.memory_space<vmem>>)
        %mul3A_196 = arith.constant 100 : i32
        %mul3A_197 = arith.muli %scan3A_137, %mul3A_196 : i32
        %add3A_198 = arith.addi %mul3A_2, %mul3A_197 : i32
        %dma_wait3A_199 = arith.constant 96 : i32
        %dma_wait3A_200 = tpu.memref_slice %arg3[%add3A_198, %dma_wait3A_199] : memref<80000x128xf32, #tpu.memory_space<hbm>> -> memref<100x32xf32, #tpu.memory_space<hbm>>
        %dma_wait3A_201 = arith.constant 96 : i32
        %dma_wait3A_202 = tpu.memref_slice %arg3[%add3A_198, %dma_wait3A_201] : memref<80000x128xf32, #tpu.memory_space<hbm>> -> memref<100x32xf32, #tpu.memory_space<hbm>>
        tpu.wait_dma2 semaphore(%arg16 : memref<!tpu.dma_semaphore, #tpu.memory_space<semaphore_mem>>) src(%dma_wait3A_202 : memref<100x32xf32, #tpu.memory_space<hbm>>) dst(%arg14 : memref<100x32xf32, #tpu.memory_space<vmem>>)
        %dma_start3A_203 = arith.constant 0 : i32
        %dma_start3A_204 = arith.constant 0 : i32
        %dma_start3A_205 = tpu.memref_slice %arg6[%scan3A_137, %dma_start3A_203, %dma_start3A_204] : memref<25x4x100xi32, #tpu.memory_space<vmem>> -> memref<1x1x100xi32, #tpu.memory_space<vmem>>
        %dma_start3A_206 = tpu.memref_squeeze %dma_start3A_205 : memref<1x1x100xi32, #tpu.memory_space<vmem>> -> memref<100xi32, #tpu.memory_space<vmem>>
        %dma_start3A_207 = arith.constant 0 : i32
        %dma_start3A_208 = arith.constant 0 : i32
        %dma_start3A_209 = tpu.memref_slice %arg19[%dma_start3A_207, %dma_start3A_208] : memref<10000x32xf32, #tpu.memory_space<vmem_shared>> -> memref<10000x32xf32, #tpu.memory_space<vmem_shared>>
        tpu.enqueue_indirect_dma source(%arg11 : memref<100x32xf32, #tpu.memory_space<vmem>>) target(%dma_start3A_209 : memref<10000x32xf32, #tpu.memory_space<vmem_shared>>) offsets(%dma_start3A_206 : memref<100xi32, #tpu.memory_space<vmem>>) semaphore(%arg18 : memref<!tpu.dma_semaphore, #tpu.memory_space<semaphore_mem>>) {add = true}
        %dma_start3A_210 = arith.constant 1 : i32
        %dma_start3A_211 = arith.constant 0 : i32
        %dma_start3A_212 = tpu.memref_slice %arg6[%scan3A_137, %dma_start3A_210, %dma_start3A_211] : memref<25x4x100xi32, #tpu.memory_space<vmem>> -> memref<1x1x100xi32, #tpu.memory_space<vmem>>
        %dma_start3A_213 = tpu.memref_squeeze %dma_start3A_212 : memref<1x1x100xi32, #tpu.memory_space<vmem>> -> memref<100xi32, #tpu.memory_space<vmem>>
        %dma_start3A_214 = arith.constant 0 : i32
        %dma_start3A_215 = arith.constant 0 : i32
        %dma_start3A_216 = tpu.memref_slice %arg19[%dma_start3A_214, %dma_start3A_215] : memref<10000x32xf32, #tpu.memory_space<vmem_shared>> -> memref<10000x32xf32, #tpu.memory_space<vmem_shared>>
        tpu.enqueue_indirect_dma source(%arg12 : memref<100x32xf32, #tpu.memory_space<vmem>>) target(%dma_start3A_216 : memref<10000x32xf32, #tpu.memory_space<vmem_shared>>) offsets(%dma_start3A_213 : memref<100xi32, #tpu.memory_space<vmem>>) semaphore(%arg18 : memref<!tpu.dma_semaphore, #tpu.memory_space<semaphore_mem>>) {add = true}
        %dma_start3A_217 = arith.constant 2 : i32
        %dma_start3A_218 = arith.constant 0 : i32
        %dma_start3A_219 = tpu.memref_slice %arg6[%scan3A_137, %dma_start3A_217, %dma_start3A_218] : memref<25x4x100xi32, #tpu.memory_space<vmem>> -> memref<1x1x100xi32, #tpu.memory_space<vmem>>
        %dma_start3A_220 = tpu.memref_squeeze %dma_start3A_219 : memref<1x1x100xi32, #tpu.memory_space<vmem>> -> memref<100xi32, #tpu.memory_space<vmem>>
        %dma_start3A_221 = arith.constant 0 : i32
        %dma_start3A_222 = arith.constant 0 : i32
        %dma_start3A_223 = tpu.memref_slice %arg19[%dma_start3A_221, %dma_start3A_222] : memref<10000x32xf32, #tpu.memory_space<vmem_shared>> -> memref<10000x32xf32, #tpu.memory_space<vmem_shared>>
        tpu.enqueue_indirect_dma source(%arg13 : memref<100x32xf32, #tpu.memory_space<vmem>>) target(%dma_start3A_223 : memref<10000x32xf32, #tpu.memory_space<vmem_shared>>) offsets(%dma_start3A_220 : memref<100xi32, #tpu.memory_space<vmem>>) semaphore(%arg18 : memref<!tpu.dma_semaphore, #tpu.memory_space<semaphore_mem>>) {add = true}
        %dma_start3A_224 = arith.constant 3 : i32
        %dma_start3A_225 = arith.constant 0 : i32
        %dma_start3A_226 = tpu.memref_slice %arg6[%scan3A_137, %dma_start3A_224, %dma_start3A_225] : memref<25x4x100xi32, #tpu.memory_space<vmem>> -> memref<1x1x100xi32, #tpu.memory_space<vmem>>
        %dma_start3A_227 = tpu.memref_squeeze %dma_start3A_226 : memref<1x1x100xi32, #tpu.memory_space<vmem>> -> memref<100xi32, #tpu.memory_space<vmem>>
        %dma_start3A_228 = arith.constant 0 : i32
        %dma_start3A_229 = arith.constant 0 : i32
        %dma_start3A_230 = tpu.memref_slice %arg19[%dma_start3A_228, %dma_start3A_229] : memref<10000x32xf32, #tpu.memory_space<vmem_shared>> -> memref<10000x32xf32, #tpu.memory_space<vmem_shared>>
        tpu.enqueue_indirect_dma source(%arg14 : memref<100x32xf32, #tpu.memory_space<vmem>>) target(%dma_start3A_230 : memref<10000x32xf32, #tpu.memory_space<vmem_shared>>) offsets(%dma_start3A_227 : memref<100xi32, #tpu.memory_space<vmem>>) semaphore(%arg18 : memref<!tpu.dma_semaphore, #tpu.memory_space<semaphore_mem>>) {add = true}
        %add3A_231 = arith.constant 2 : i32
        %add3A_232 = arith.addi %scan3A_137, %add3A_231 : i32
        %lt3A_233 = arith.constant 25 : i32
        %lt3A_234 = arith.cmpi slt, %add3A_232, %lt3A_233 : i32
        %convert_element_type3A_235 = arith.extui %lt3A_234 : i1 to i32
        %cond3A_236 = arith.constant 0 : i32
        %cond3A_237 = arith.cmpi ne, %convert_element_type3A_235, %cond3A_236 : i32
        scf.if %cond3A_237 {
          %dma_wait3A_238 = arith.constant 0 : i32
          %dma_wait3A_239 = arith.constant 0 : i32
          %dma_wait3A_240 = tpu.memref_slice %arg6[%scan3A_137, %dma_wait3A_238, %dma_wait3A_239] : memref<25x4x100xi32, #tpu.memory_space<vmem>> -> memref<1x1x100xi32, #tpu.memory_space<vmem>>
          %dma_wait3A_241 = tpu.memref_squeeze %dma_wait3A_240 : memref<1x1x100xi32, #tpu.memory_space<vmem>> -> memref<100xi32, #tpu.memory_space<vmem>>
          %dma_wait3A_242 = arith.constant 0 : i32
          %dma_wait3A_243 = arith.constant 0 : i32
          %dma_wait3A_244 = tpu.memref_slice %arg19[%dma_wait3A_242, %dma_wait3A_243] : memref<10000x32xf32, #tpu.memory_space<vmem_shared>> -> memref<10000x32xf32, #tpu.memory_space<vmem_shared>>
          tpu.wait_indirect_dma semaphore(%arg18 : memref<!tpu.dma_semaphore, #tpu.memory_space<semaphore_mem>>) src(%arg11 : memref<100x32xf32, #tpu.memory_space<vmem>>) dst(%dma_wait3A_244 : memref<10000x32xf32, #tpu.memory_space<vmem_shared>>)
          %dma_wait3A_245 = arith.constant 1 : i32
          %dma_wait3A_246 = arith.constant 0 : i32
          %dma_wait3A_247 = tpu.memref_slice %arg6[%scan3A_137, %dma_wait3A_245, %dma_wait3A_246] : memref<25x4x100xi32, #tpu.memory_space<vmem>> -> memref<1x1x100xi32, #tpu.memory_space<vmem>>
          %dma_wait3A_248 = tpu.memref_squeeze %dma_wait3A_247 : memref<1x1x100xi32, #tpu.memory_space<vmem>> -> memref<100xi32, #tpu.memory_space<vmem>>
          %dma_wait3A_249 = arith.constant 0 : i32
          %dma_wait3A_250 = arith.constant 0 : i32
          %dma_wait3A_251 = tpu.memref_slice %arg19[%dma_wait3A_249, %dma_wait3A_250] : memref<10000x32xf32, #tpu.memory_space<vmem_shared>> -> memref<10000x32xf32, #tpu.memory_space<vmem_shared>>
          tpu.wait_indirect_dma semaphore(%arg18 : memref<!tpu.dma_semaphore, #tpu.memory_space<semaphore_mem>>) src(%arg12 : memref<100x32xf32, #tpu.memory_space<vmem>>) dst(%dma_wait3A_251 : memref<10000x32xf32, #tpu.memory_space<vmem_shared>>)
          %dma_wait3A_252 = arith.constant 2 : i32
          %dma_wait3A_253 = arith.constant 0 : i32
          %dma_wait3A_254 = tpu.memref_slice %arg6[%scan3A_137, %dma_wait3A_252, %dma_wait3A_253] : memref<25x4x100xi32, #tpu.memory_space<vmem>> -> memref<1x1x100xi32, #tpu.memory_space<vmem>>
          %dma_wait3A_255 = tpu.memref_squeeze %dma_wait3A_254 : memref<1x1x100xi32, #tpu.memory_space<vmem>> -> memref<100xi32, #tpu.memory_space<vmem>>
          %dma_wait3A_256 = arith.constant 0 : i32
          %dma_wait3A_257 = arith.constant 0 : i32
          %dma_wait3A_258 = tpu.memref_slice %arg19[%dma_wait3A_256, %dma_wait3A_257] : memref<10000x32xf32, #tpu.memory_space<vmem_shared>> -> memref<10000x32xf32, #tpu.memory_space<vmem_shared>>
          tpu.wait_indirect_dma semaphore(%arg18 : memref<!tpu.dma_semaphore, #tpu.memory_space<semaphore_mem>>) src(%arg13 : memref<100x32xf32, #tpu.memory_space<vmem>>) dst(%dma_wait3A_258 : memref<10000x32xf32, #tpu.memory_space<vmem_shared>>)
          %dma_wait3A_259 = arith.constant 3 : i32
          %dma_wait3A_260 = arith.constant 0 : i32
          %dma_wait3A_261 = tpu.memref_slice %arg6[%scan3A_137, %dma_wait3A_259, %dma_wait3A_260] : memref<25x4x100xi32, #tpu.memory_space<vmem>> -> memref<1x1x100xi32, #tpu.memory_space<vmem>>
          %dma_wait3A_262 = tpu.memref_squeeze %dma_wait3A_261 : memref<1x1x100xi32, #tpu.memory_space<vmem>> -> memref<100xi32, #tpu.memory_space<vmem>>
          %dma_wait3A_263 = arith.constant 0 : i32
          %dma_wait3A_264 = arith.constant 0 : i32
          %dma_wait3A_265 = tpu.memref_slice %arg19[%dma_wait3A_263, %dma_wait3A_264] : memref<10000x32xf32, #tpu.memory_space<vmem_shared>> -> memref<10000x32xf32, #tpu.memory_space<vmem_shared>>
          tpu.wait_indirect_dma semaphore(%arg18 : memref<!tpu.dma_semaphore, #tpu.memory_space<semaphore_mem>>) src(%arg14 : memref<100x32xf32, #tpu.memory_space<vmem>>) dst(%dma_wait3A_265 : memref<10000x32xf32, #tpu.memory_space<vmem_shared>>)
          %add3A_266 = arith.constant 2 : i32
          %add3A_267 = arith.addi %scan3A_137, %add3A_266 : i32
          %mul3A_268 = arith.constant 100 : i32
          %mul3A_269 = arith.muli %add3A_267, %mul3A_268 : i32
          %add3A_270 = arith.addi %mul3A_2, %mul3A_269 : i32
          %dma_start3A_271 = arith.constant 0 : i32
          %dma_start3A_272 = tpu.memref_slice %arg3[%add3A_270, %dma_start3A_271] : memref<80000x128xf32, #tpu.memory_space<hbm>> -> memref<100x32xf32, #tpu.memory_space<hbm>>
          %dma_start3A_273 = arith.constant 0 : i32
          %dma_start3A_274 = tpu.memref_slice %arg3[%add3A_270, %dma_start3A_273] : memref<80000x128xf32, #tpu.memory_space<hbm>> -> memref<100x32xf32, #tpu.memory_space<hbm>>
          tpu.enqueue_dma source(%dma_start3A_274 : memref<100x32xf32, #tpu.memory_space<hbm>>) target(%arg11 : memref<100x32xf32, #tpu.memory_space<vmem>>) target_semaphore(%arg16 : memref<!tpu.dma_semaphore, #tpu.memory_space<semaphore_mem>>)
          %mul3A_275 = arith.constant 100 : i32
          %mul3A_276 = arith.muli %add3A_267, %mul3A_275 : i32
          %add3A_277 = arith.addi %mul3A_2, %mul3A_276 : i32
          %dma_start3A_278 = arith.constant 32 : i32
          %dma_start3A_279 = tpu.memref_slice %arg3[%add3A_277, %dma_start3A_278] : memref<80000x128xf32, #tpu.memory_space<hbm>> -> memref<100x32xf32, #tpu.memory_space<hbm>>
          %dma_start3A_280 = arith.constant 32 : i32
          %dma_start3A_281 = tpu.memref_slice %arg3[%add3A_277, %dma_start3A_280] : memref<80000x128xf32, #tpu.memory_space<hbm>> -> memref<100x32xf32, #tpu.memory_space<hbm>>
          tpu.enqueue_dma source(%dma_start3A_281 : memref<100x32xf32, #tpu.memory_space<hbm>>) target(%arg12 : memref<100x32xf32, #tpu.memory_space<vmem>>) target_semaphore(%arg16 : memref<!tpu.dma_semaphore, #tpu.memory_space<semaphore_mem>>)
          %mul3A_282 = arith.constant 100 : i32
          %mul3A_283 = arith.muli %add3A_267, %mul3A_282 : i32
          %add3A_284 = arith.addi %mul3A_2, %mul3A_283 : i32
          %dma_start3A_285 = arith.constant 64 : i32
          %dma_start3A_286 = tpu.memref_slice %arg3[%add3A_284, %dma_start3A_285] : memref<80000x128xf32, #tpu.memory_space<hbm>> -> memref<100x32xf32, #tpu.memory_space<hbm>>
          %dma_start3A_287 = arith.constant 64 : i32
          %dma_start3A_288 = tpu.memref_slice %arg3[%add3A_284, %dma_start3A_287] : memref<80000x128xf32, #tpu.memory_space<hbm>> -> memref<100x32xf32, #tpu.memory_space<hbm>>
          tpu.enqueue_dma source(%dma_start3A_288 : memref<100x32xf32, #tpu.memory_space<hbm>>) target(%arg13 : memref<100x32xf32, #tpu.memory_space<vmem>>) target_semaphore(%arg16 : memref<!tpu.dma_semaphore, #tpu.memory_space<semaphore_mem>>)
          %mul3A_289 = arith.constant 100 : i32
          %mul3A_290 = arith.muli %add3A_267, %mul3A_289 : i32
          %add3A_291 = arith.addi %mul3A_2, %mul3A_290 : i32
          %dma_start3A_292 = arith.constant 96 : i32
          %dma_start3A_293 = tpu.memref_slice %arg3[%add3A_291, %dma_start3A_292] : memref<80000x128xf32, #tpu.memory_space<hbm>> -> memref<100x32xf32, #tpu.memory_space<hbm>>
          %dma_start3A_294 = arith.constant 96 : i32
          %dma_start3A_295 = tpu.memref_slice %arg3[%add3A_291, %dma_start3A_294] : memref<80000x128xf32, #tpu.memory_space<hbm>> -> memref<100x32xf32, #tpu.memory_space<hbm>>
          tpu.enqueue_dma source(%dma_start3A_295 : memref<100x32xf32, #tpu.memory_space<hbm>>) target(%arg14 : memref<100x32xf32, #tpu.memory_space<vmem>>) target_semaphore(%arg16 : memref<!tpu.dma_semaphore, #tpu.memory_space<semaphore_mem>>)
        } else {
        }
      } else {
      }
    }
    %scan3A_62 = arith.constant 25 : i32
    %dma_wait3A = arith.constant 23 : i32
    %dma_wait3A_63 = arith.constant 0 : i32
    %dma_wait3A_64 = arith.constant 0 : i32
    %dma_wait3A_65 = tpu.memref_slice %arg6[%dma_wait3A, %dma_wait3A_63, %dma_wait3A_64] : memref<25x4x100xi32, #tpu.memory_space<vmem>> -> memref<1x1x100xi32, #tpu.memory_space<vmem>>
    %dma_wait3A_66 = tpu.memref_squeeze %dma_wait3A_65 : memref<1x1x100xi32, #tpu.memory_space<vmem>> -> memref<100xi32, #tpu.memory_space<vmem>>
    %dma_wait3A_67 = arith.constant 0 : i32
    %dma_wait3A_68 = arith.constant 0 : i32
    %dma_wait3A_69 = tpu.memref_slice %arg19[%dma_wait3A_67, %dma_wait3A_68] : memref<10000x32xf32, #tpu.memory_space<vmem_shared>> -> memref<10000x32xf32, #tpu.memory_space<vmem_shared>>
    tpu.wait_indirect_dma semaphore(%arg18 : memref<!tpu.dma_semaphore, #tpu.memory_space<semaphore_mem>>) src(%arg11 : memref<100x32xf32, #tpu.memory_space<vmem>>) dst(%dma_wait3A_69 : memref<10000x32xf32, #tpu.memory_space<vmem_shared>>)
    %dma_wait3A_70 = arith.constant 23 : i32
    %dma_wait3A_71 = arith.constant 1 : i32
    %dma_wait3A_72 = arith.constant 0 : i32
    %dma_wait3A_73 = tpu.memref_slice %arg6[%dma_wait3A_70, %dma_wait3A_71, %dma_wait3A_72] : memref<25x4x100xi32, #tpu.memory_space<vmem>> -> memref<1x1x100xi32, #tpu.memory_space<vmem>>
    %dma_wait3A_74 = tpu.memref_squeeze %dma_wait3A_73 : memref<1x1x100xi32, #tpu.memory_space<vmem>> -> memref<100xi32, #tpu.memory_space<vmem>>
    %dma_wait3A_75 = arith.constant 0 : i32
    %dma_wait3A_76 = arith.constant 0 : i32
    %dma_wait3A_77 = tpu.memref_slice %arg19[%dma_wait3A_75, %dma_wait3A_76] : memref<10000x32xf32, #tpu.memory_space<vmem_shared>> -> memref<10000x32xf32, #tpu.memory_space<vmem_shared>>
    tpu.wait_indirect_dma semaphore(%arg18 : memref<!tpu.dma_semaphore, #tpu.memory_space<semaphore_mem>>) src(%arg12 : memref<100x32xf32, #tpu.memory_space<vmem>>) dst(%dma_wait3A_77 : memref<10000x32xf32, #tpu.memory_space<vmem_shared>>)
    %dma_wait3A_78 = arith.constant 23 : i32
    %dma_wait3A_79 = arith.constant 2 : i32
    %dma_wait3A_80 = arith.constant 0 : i32
    %dma_wait3A_81 = tpu.memref_slice %arg6[%dma_wait3A_78, %dma_wait3A_79, %dma_wait3A_80] : memref<25x4x100xi32, #tpu.memory_space<vmem>> -> memref<1x1x100xi32, #tpu.memory_space<vmem>>
    %dma_wait3A_82 = tpu.memref_squeeze %dma_wait3A_81 : memref<1x1x100xi32, #tpu.memory_space<vmem>> -> memref<100xi32, #tpu.memory_space<vmem>>
    %dma_wait3A_83 = arith.constant 0 : i32
    %dma_wait3A_84 = arith.constant 0 : i32
    %dma_wait3A_85 = tpu.memref_slice %arg19[%dma_wait3A_83, %dma_wait3A_84] : memref<10000x32xf32, #tpu.memory_space<vmem_shared>> -> memref<10000x32xf32, #tpu.memory_space<vmem_shared>>
    tpu.wait_indirect_dma semaphore(%arg18 : memref<!tpu.dma_semaphore, #tpu.memory_space<semaphore_mem>>) src(%arg13 : memref<100x32xf32, #tpu.memory_space<vmem>>) dst(%dma_wait3A_85 : memref<10000x32xf32, #tpu.memory_space<vmem_shared>>)
    %dma_wait3A_86 = arith.constant 23 : i32
    %dma_wait3A_87 = arith.constant 3 : i32
    %dma_wait3A_88 = arith.constant 0 : i32
    %dma_wait3A_89 = tpu.memref_slice %arg6[%dma_wait3A_86, %dma_wait3A_87, %dma_wait3A_88] : memref<25x4x100xi32, #tpu.memory_space<vmem>> -> memref<1x1x100xi32, #tpu.memory_space<vmem>>
    %dma_wait3A_90 = tpu.memref_squeeze %dma_wait3A_89 : memref<1x1x100xi32, #tpu.memory_space<vmem>> -> memref<100xi32, #tpu.memory_space<vmem>>
    %dma_wait3A_91 = arith.constant 0 : i32
    %dma_wait3A_92 = arith.constant 0 : i32
    %dma_wait3A_93 = tpu.memref_slice %arg19[%dma_wait3A_91, %dma_wait3A_92] : memref<10000x32xf32, #tpu.memory_space<vmem_shared>> -> memref<10000x32xf32, #tpu.memory_space<vmem_shared>>
    tpu.wait_indirect_dma semaphore(%arg18 : memref<!tpu.dma_semaphore, #tpu.memory_space<semaphore_mem>>) src(%arg14 : memref<100x32xf32, #tpu.memory_space<vmem>>) dst(%dma_wait3A_93 : memref<10000x32xf32, #tpu.memory_space<vmem_shared>>)
    %dma_wait3A_94 = arith.constant 24 : i32
    %dma_wait3A_95 = arith.constant 0 : i32
    %dma_wait3A_96 = arith.constant 0 : i32
    %dma_wait3A_97 = tpu.memref_slice %arg6[%dma_wait3A_94, %dma_wait3A_95, %dma_wait3A_96] : memref<25x4x100xi32, #tpu.memory_space<vmem>> -> memref<1x1x100xi32, #tpu.memory_space<vmem>>
    %dma_wait3A_98 = tpu.memref_squeeze %dma_wait3A_97 : memref<1x1x100xi32, #tpu.memory_space<vmem>> -> memref<100xi32, #tpu.memory_space<vmem>>
    %dma_wait3A_99 = arith.constant 0 : i32
    %dma_wait3A_100 = arith.constant 0 : i32
    %dma_wait3A_101 = tpu.memref_slice %arg19[%dma_wait3A_99, %dma_wait3A_100] : memref<10000x32xf32, #tpu.memory_space<vmem_shared>> -> memref<10000x32xf32, #tpu.memory_space<vmem_shared>>
    tpu.wait_indirect_dma semaphore(%arg17 : memref<!tpu.dma_semaphore, #tpu.memory_space<semaphore_mem>>) src(%arg7 : memref<100x32xf32, #tpu.memory_space<vmem>>) dst(%dma_wait3A_101 : memref<10000x32xf32, #tpu.memory_space<vmem_shared>>)
    %dma_wait3A_102 = arith.constant 24 : i32
    %dma_wait3A_103 = arith.constant 1 : i32
    %dma_wait3A_104 = arith.constant 0 : i32
    %dma_wait3A_105 = tpu.memref_slice %arg6[%dma_wait3A_102, %dma_wait3A_103, %dma_wait3A_104] : memref<25x4x100xi32, #tpu.memory_space<vmem>> -> memref<1x1x100xi32, #tpu.memory_space<vmem>>
    %dma_wait3A_106 = tpu.memref_squeeze %dma_wait3A_105 : memref<1x1x100xi32, #tpu.memory_space<vmem>> -> memref<100xi32, #tpu.memory_space<vmem>>
    %dma_wait3A_107 = arith.constant 0 : i32
    %dma_wait3A_108 = arith.constant 0 : i32
    %dma_wait3A_109 = tpu.memref_slice %arg19[%dma_wait3A_107, %dma_wait3A_108] : memref<10000x32xf32, #tpu.memory_space<vmem_shared>> -> memref<10000x32xf32, #tpu.memory_space<vmem_shared>>
    tpu.wait_indirect_dma semaphore(%arg17 : memref<!tpu.dma_semaphore, #tpu.memory_space<semaphore_mem>>) src(%arg8 : memref<100x32xf32, #tpu.memory_space<vmem>>) dst(%dma_wait3A_109 : memref<10000x32xf32, #tpu.memory_space<vmem_shared>>)
    %dma_wait3A_110 = arith.constant 24 : i32
    %dma_wait3A_111 = arith.constant 2 : i32
    %dma_wait3A_112 = arith.constant 0 : i32
    %dma_wait3A_113 = tpu.memref_slice %arg6[%dma_wait3A_110, %dma_wait3A_111, %dma_wait3A_112] : memref<25x4x100xi32, #tpu.memory_space<vmem>> -> memref<1x1x100xi32, #tpu.memory_space<vmem>>
    %dma_wait3A_114 = tpu.memref_squeeze %dma_wait3A_113 : memref<1x1x100xi32, #tpu.memory_space<vmem>> -> memref<100xi32, #tpu.memory_space<vmem>>
    %dma_wait3A_115 = arith.constant 0 : i32
    %dma_wait3A_116 = arith.constant 0 : i32
    %dma_wait3A_117 = tpu.memref_slice %arg19[%dma_wait3A_115, %dma_wait3A_116] : memref<10000x32xf32, #tpu.memory_space<vmem_shared>> -> memref<10000x32xf32, #tpu.memory_space<vmem_shared>>
    tpu.wait_indirect_dma semaphore(%arg17 : memref<!tpu.dma_semaphore, #tpu.memory_space<semaphore_mem>>) src(%arg9 : memref<100x32xf32, #tpu.memory_space<vmem>>) dst(%dma_wait3A_117 : memref<10000x32xf32, #tpu.memory_space<vmem_shared>>)
    %dma_wait3A_118 = arith.constant 24 : i32
    %dma_wait3A_119 = arith.constant 3 : i32
    %dma_wait3A_120 = arith.constant 0 : i32
    %dma_wait3A_121 = tpu.memref_slice %arg6[%dma_wait3A_118, %dma_wait3A_119, %dma_wait3A_120] : memref<25x4x100xi32, #tpu.memory_space<vmem>> -> memref<1x1x100xi32, #tpu.memory_space<vmem>>
    %dma_wait3A_122 = tpu.memref_squeeze %dma_wait3A_121 : memref<1x1x100xi32, #tpu.memory_space<vmem>> -> memref<100xi32, #tpu.memory_space<vmem>>
    %dma_wait3A_123 = arith.constant 0 : i32
    %dma_wait3A_124 = arith.constant 0 : i32
    %dma_wait3A_125 = tpu.memref_slice %arg19[%dma_wait3A_123, %dma_wait3A_124] : memref<10000x32xf32, #tpu.memory_space<vmem_shared>> -> memref<10000x32xf32, #tpu.memory_space<vmem_shared>>
    tpu.wait_indirect_dma semaphore(%arg17 : memref<!tpu.dma_semaphore, #tpu.memory_space<semaphore_mem>>) src(%arg10 : memref<100x32xf32, #tpu.memory_space<vmem>>) dst(%dma_wait3A_125 : memref<10000x32xf32, #tpu.memory_space<vmem_shared>>)
    %barrier3A_126 = arith.constant 0 : index
    tpu.barrier barrier_id(%barrier3A_126)
    %lt3A_127 = arith.constant 15 : i32
    %lt3A_128 = arith.cmpi slt, %arg1, %lt3A_127 : i32
    %convert_element_type3A_129 = arith.extui %lt3A_128 : i1 to i32
    %cond3A_130 = arith.constant 0 : i32
    %cond3A_131 = arith.cmpi ne, %convert_element_type3A_129, %cond3A_130 : i32
    scf.if %cond3A_131 {
      "tpu.region"() ({
        %run_scoped3A = tpu.sem_alloc : memref<!tpu.dma_semaphore, #tpu.memory_space<semaphore_mem>>
        %dma_start3A_137 = arith.constant 0 : i32
        %dma_start3A_138 = tpu.memref_slice %arg5[%arg0, %mul3A_4, %dma_start3A_137] : memref<2x10000x32xf32, #tpu.memory_space<hbm>> -> memref<1x640x32xf32, #tpu.memory_space<hbm>>
        %dma_start3A_139 = tpu.memref_squeeze %dma_start3A_138 : memref<1x640x32xf32, #tpu.memory_space<hbm>> -> memref<640x32xf32, #tpu.memory_space<hbm>>
        %dma_start3A_140 = arith.constant 0 : i32
        %dma_start3A_141 = tpu.memref_slice %arg19[%mul3A_4, %dma_start3A_140] : memref<10000x32xf32, #tpu.memory_space<vmem_shared>> -> memref<640x32xf32, #tpu.memory_space<vmem_shared>>
        tpu.enqueue_dma source(%dma_start3A_141 : memref<640x32xf32, #tpu.memory_space<vmem_shared>>) target(%dma_start3A_139 : memref<640x32xf32, #tpu.memory_space<hbm>>) target_semaphore(%run_scoped3A : memref<!tpu.dma_semaphore, #tpu.memory_space<semaphore_mem>>)
        %dma_wait3A_142 = arith.constant 0 : i32
        %dma_wait3A_143 = tpu.memref_slice %arg5[%arg0, %mul3A_4, %dma_wait3A_142] : memref<2x10000x32xf32, #tpu.memory_space<hbm>> -> memref<1x640x32xf32, #tpu.memory_space<hbm>>
        %dma_wait3A_144 = tpu.memref_squeeze %dma_wait3A_143 : memref<1x640x32xf32, #tpu.memory_space<hbm>> -> memref<640x32xf32, #tpu.memory_space<hbm>>
        %dma_wait3A_145 = arith.constant 0 : i32
        %dma_wait3A_146 = tpu.memref_slice %arg19[%mul3A_4, %dma_wait3A_145] : memref<10000x32xf32, #tpu.memory_space<vmem_shared>> -> memref<640x32xf32, #tpu.memory_space<vmem_shared>>
        tpu.wait_dma2 semaphore(%run_scoped3A : memref<!tpu.dma_semaphore, #tpu.memory_space<semaphore_mem>>) src(%dma_wait3A_146 : memref<640x32xf32, #tpu.memory_space<vmem_shared>>) dst(%dma_wait3A_144 : memref<640x32xf32, #tpu.memory_space<hbm>>)
        tpu.yield
      }) : () -> ()
    } else {
    }
    %eq3A_132 = arith.constant 15 : i32
    %eq3A_133 = arith.cmpi eq, %arg1, %eq3A_132 : i32
    %convert_element_type3A_134 = arith.extui %eq3A_133 : i1 to i32
    %cond3A_135 = arith.constant 0 : i32
    %cond3A_136 = arith.cmpi ne, %convert_element_type3A_134, %cond3A_135 : i32
    scf.if %cond3A_136 {
      "tpu.region"() ({
        %run_scoped3A = tpu.sem_alloc : memref<!tpu.dma_semaphore, #tpu.memory_space<semaphore_mem>>
        %dma_start3A_137 = arith.constant 0 : i32
        %dma_start3A_138 = tpu.memref_slice %arg5[%arg0, %mul3A_4, %dma_start3A_137] : memref<2x10000x32xf32, #tpu.memory_space<hbm>> -> memref<1x400x32xf32, #tpu.memory_space<hbm>>
        %dma_start3A_139 = tpu.memref_squeeze %dma_start3A_138 : memref<1x400x32xf32, #tpu.memory_space<hbm>> -> memref<400x32xf32, #tpu.memory_space<hbm>>
        %dma_start3A_140 = arith.constant 0 : i32
        %dma_start3A_141 = tpu.memref_slice %arg19[%mul3A_4, %dma_start3A_140] : memref<10000x32xf32, #tpu.memory_space<vmem_shared>> -> memref<400x32xf32, #tpu.memory_space<vmem_shared>>
        tpu.enqueue_dma source(%dma_start3A_141 : memref<400x32xf32, #tpu.memory_space<vmem_shared>>) target(%dma_start3A_139 : memref<400x32xf32, #tpu.memory_space<hbm>>) target_semaphore(%run_scoped3A : memref<!tpu.dma_semaphore, #tpu.memory_space<semaphore_mem>>)
        %dma_wait3A_142 = arith.constant 0 : i32
        %dma_wait3A_143 = tpu.memref_slice %arg5[%arg0, %mul3A_4, %dma_wait3A_142] : memref<2x10000x32xf32, #tpu.memory_space<hbm>> -> memref<1x400x32xf32, #tpu.memory_space<hbm>>
        %dma_wait3A_144 = tpu.memref_squeeze %dma_wait3A_143 : memref<1x400x32xf32, #tpu.memory_space<hbm>> -> memref<400x32xf32, #tpu.memory_space<hbm>>
        %dma_wait3A_145 = arith.constant 0 : i32
        %dma_wait3A_146 = tpu.memref_slice %arg19[%mul3A_4, %dma_wait3A_145] : memref<10000x32xf32, #tpu.memory_space<vmem_shared>> -> memref<400x32xf32, #tpu.memory_space<vmem_shared>>
        tpu.wait_dma2 semaphore(%run_scoped3A : memref<!tpu.dma_semaphore, #tpu.memory_space<semaphore_mem>>) src(%dma_wait3A_146 : memref<400x32xf32, #tpu.memory_space<vmem_shared>>) dst(%dma_wait3A_144 : memref<400x32xf32, #tpu.memory_space<hbm>>)
        tpu.yield
      }) : () -> ()
    } else {
    }
    return
  }
}

#map = affine_map<(d0, d1) -> (0, 0)>
#map1 = affine_map<(d0, d1) -> (0)>
module attributes {stable_mosaic.version = 14 : i64} {
  func.func @_k2_body(%arg0: i32, %arg1: i32, %arg2: memref<10000x128xf32, #tpu.memory_space<hbm>>, %arg3: memref<10000x128xf32, #tpu.memory_space<hbm>>, %arg4: memref<320000xi32, #tpu.memory_space<hbm>>, %arg5: memref<320000xi32, #tpu.memory_space<hbm>>, %arg6: memref<320000x128xf32, #tpu.memory_space<hbm>>, %arg7: memref<320000x128xf32, #tpu.memory_space<hbm>>, %arg8: memref<10000xi32, #tpu.memory_space<vmem>>, %arg9: memref<10000xi32, #tpu.memory_space<vmem>>, %arg10: memref<80x128xf32, #tpu.memory_space<vmem>>, %arg11: memref<80x128xf32, #tpu.memory_space<vmem>>, %arg12: memref<80x128xf32, #tpu.memory_space<vmem>>, %arg13: memref<80x128xf32, #tpu.memory_space<vmem>>, %arg14: memref<!tpu.dma_semaphore, #tpu.memory_space<semaphore_mem>>, %arg15: memref<!tpu.dma_semaphore, #tpu.memory_space<semaphore_mem>>, %arg16: memref<!tpu.dma_semaphore, #tpu.memory_space<semaphore_mem>>, %arg17: memref<!tpu.dma_semaphore, #tpu.memory_space<semaphore_mem>>, %arg18: memref<!tpu.dma_semaphore, #tpu.memory_space<semaphore_mem>>, %arg19: memref<!tpu.dma_semaphore, #tpu.memory_space<semaphore_mem>>, %arg20: memref<!tpu.dma_semaphore, #tpu.memory_space<semaphore_mem>>, %arg21: memref<!tpu.dma_semaphore, #tpu.memory_space<semaphore_mem>>) attributes {dimension_semantics = [#tpu.dimension_semantics<core_parallel>, #tpu.dimension_semantics<subcore_parallel>], iteration_bounds = array<i64: 2, 16>, scalar_prefetch = 0 : i64, scratch_operands = 14 : i64, tpu.core_type = #tpu.core_type<sc_vector_subcore>, window_params = [{transform_indices = #map}, {transform_indices = #map}, {transform_indices = #map1}, {transform_indices = #map1}, {transform_indices = #map}, {transform_indices = #map}]} {
    %mul3A = arith.constant 2 : i32
    %mul3A_0 = arith.muli %arg1, %mul3A : i32
    %add3A = arith.addi %mul3A_0, %arg0 : i32
    %mul3A_1 = arith.constant 10000 : i32
    %mul3A_2 = arith.muli %add3A, %mul3A_1 : i32
    "tpu.region"() ({
      %run_scoped3A = tpu.sem_alloc : memref<!tpu.dma_semaphore, #tpu.memory_space<semaphore_mem>>
      %dma_start3A_50 = tpu.memref_slice %arg4[%mul3A_2] : memref<320000xi32, #tpu.memory_space<hbm>> -> memref<10000xi32, #tpu.memory_space<hbm>>
      %dma_start3A_51 = tpu.memref_slice %arg4[%mul3A_2] : memref<320000xi32, #tpu.memory_space<hbm>> -> memref<10000xi32, #tpu.memory_space<hbm>>
      tpu.enqueue_dma source(%dma_start3A_51 : memref<10000xi32, #tpu.memory_space<hbm>>) target(%arg8 : memref<10000xi32, #tpu.memory_space<vmem>>) target_semaphore(%run_scoped3A : memref<!tpu.dma_semaphore, #tpu.memory_space<semaphore_mem>>)
      %dma_wait3A_52 = tpu.memref_slice %arg4[%mul3A_2] : memref<320000xi32, #tpu.memory_space<hbm>> -> memref<10000xi32, #tpu.memory_space<hbm>>
      %dma_wait3A_53 = tpu.memref_slice %arg4[%mul3A_2] : memref<320000xi32, #tpu.memory_space<hbm>> -> memref<10000xi32, #tpu.memory_space<hbm>>
      tpu.wait_dma2 semaphore(%run_scoped3A : memref<!tpu.dma_semaphore, #tpu.memory_space<semaphore_mem>>) src(%dma_wait3A_53 : memref<10000xi32, #tpu.memory_space<hbm>>) dst(%arg8 : memref<10000xi32, #tpu.memory_space<vmem>>)
      tpu.yield
    }) : () -> ()
    "tpu.region"() ({
      %run_scoped3A = tpu.sem_alloc : memref<!tpu.dma_semaphore, #tpu.memory_space<semaphore_mem>>
      %dma_start3A_50 = tpu.memref_slice %arg5[%mul3A_2] : memref<320000xi32, #tpu.memory_space<hbm>> -> memref<10000xi32, #tpu.memory_space<hbm>>
      %dma_start3A_51 = tpu.memref_slice %arg5[%mul3A_2] : memref<320000xi32, #tpu.memory_space<hbm>> -> memref<10000xi32, #tpu.memory_space<hbm>>
      tpu.enqueue_dma source(%dma_start3A_51 : memref<10000xi32, #tpu.memory_space<hbm>>) target(%arg9 : memref<10000xi32, #tpu.memory_space<vmem>>) target_semaphore(%run_scoped3A : memref<!tpu.dma_semaphore, #tpu.memory_space<semaphore_mem>>)
      %dma_wait3A_52 = tpu.memref_slice %arg5[%mul3A_2] : memref<320000xi32, #tpu.memory_space<hbm>> -> memref<10000xi32, #tpu.memory_space<hbm>>
      %dma_wait3A_53 = tpu.memref_slice %arg5[%mul3A_2] : memref<320000xi32, #tpu.memory_space<hbm>> -> memref<10000xi32, #tpu.memory_space<hbm>>
      tpu.wait_dma2 semaphore(%run_scoped3A : memref<!tpu.dma_semaphore, #tpu.memory_space<semaphore_mem>>) src(%dma_wait3A_53 : memref<10000xi32, #tpu.memory_space<hbm>>) dst(%arg9 : memref<10000xi32, #tpu.memory_space<vmem>>)
      tpu.yield
    }) : () -> ()
    %dma_start3A = arith.constant 0 : i32
    %dma_start3A_3 = tpu.memref_slice %arg8[%dma_start3A] : memref<10000xi32, #tpu.memory_space<vmem>> -> memref<80xi32, #tpu.memory_space<vmem>>
    %dma_start3A_4 = arith.constant 0 : i32
    %dma_start3A_5 = arith.constant 0 : i32
    %dma_start3A_6 = tpu.memref_slice %arg2[%dma_start3A_4, %dma_start3A_5] : memref<10000x128xf32, #tpu.memory_space<hbm>> -> memref<10000x128xf32, #tpu.memory_space<hbm>>
    tpu.enqueue_indirect_dma source(%dma_start3A_6 : memref<10000x128xf32, #tpu.memory_space<hbm>>) target(%arg10 : memref<80x128xf32, #tpu.memory_space<vmem>>) offsets(%dma_start3A_3 : memref<80xi32, #tpu.memory_space<vmem>>) semaphore(%arg14 : memref<!tpu.dma_semaphore, #tpu.memory_space<semaphore_mem>>)
    %dma_start3A_7 = arith.constant 0 : i32
    %dma_start3A_8 = tpu.memref_slice %arg9[%dma_start3A_7] : memref<10000xi32, #tpu.memory_space<vmem>> -> memref<80xi32, #tpu.memory_space<vmem>>
    %dma_start3A_9 = arith.constant 0 : i32
    %dma_start3A_10 = arith.constant 0 : i32
    %dma_start3A_11 = tpu.memref_slice %arg3[%dma_start3A_9, %dma_start3A_10] : memref<10000x128xf32, #tpu.memory_space<hbm>> -> memref<10000x128xf32, #tpu.memory_space<hbm>>
    tpu.enqueue_indirect_dma source(%dma_start3A_11 : memref<10000x128xf32, #tpu.memory_space<hbm>>) target(%arg12 : memref<80x128xf32, #tpu.memory_space<vmem>>) offsets(%dma_start3A_8 : memref<80xi32, #tpu.memory_space<vmem>>) semaphore(%arg16 : memref<!tpu.dma_semaphore, #tpu.memory_space<semaphore_mem>>)
    %dma_start3A_12 = arith.constant 80 : i32
    %dma_start3A_13 = tpu.memref_slice %arg8[%dma_start3A_12] : memref<10000xi32, #tpu.memory_space<vmem>> -> memref<80xi32, #tpu.memory_space<vmem>>
    %dma_start3A_14 = arith.constant 0 : i32
    %dma_start3A_15 = arith.constant 0 : i32
    %dma_start3A_16 = tpu.memref_slice %arg2[%dma_start3A_14, %dma_start3A_15] : memref<10000x128xf32, #tpu.memory_space<hbm>> -> memref<10000x128xf32, #tpu.memory_space<hbm>>
    tpu.enqueue_indirect_dma source(%dma_start3A_16 : memref<10000x128xf32, #tpu.memory_space<hbm>>) target(%arg11 : memref<80x128xf32, #tpu.memory_space<vmem>>) offsets(%dma_start3A_13 : memref<80xi32, #tpu.memory_space<vmem>>) semaphore(%arg15 : memref<!tpu.dma_semaphore, #tpu.memory_space<semaphore_mem>>)
    %dma_start3A_17 = arith.constant 80 : i32
    %dma_start3A_18 = tpu.memref_slice %arg9[%dma_start3A_17] : memref<10000xi32, #tpu.memory_space<vmem>> -> memref<80xi32, #tpu.memory_space<vmem>>
    %dma_start3A_19 = arith.constant 0 : i32
    %dma_start3A_20 = arith.constant 0 : i32
    %dma_start3A_21 = tpu.memref_slice %arg3[%dma_start3A_19, %dma_start3A_20] : memref<10000x128xf32, #tpu.memory_space<hbm>> -> memref<10000x128xf32, #tpu.memory_space<hbm>>
    tpu.enqueue_indirect_dma source(%dma_start3A_21 : memref<10000x128xf32, #tpu.memory_space<hbm>>) target(%arg13 : memref<80x128xf32, #tpu.memory_space<vmem>>) offsets(%dma_start3A_18 : memref<80xi32, #tpu.memory_space<vmem>>) semaphore(%arg17 : memref<!tpu.dma_semaphore, #tpu.memory_space<semaphore_mem>>)
    %scan3A = arith.constant 0 : i32
    %scan3A_22 = arith.constant 0 : i32
    %scan3A_23 = arith.constant 125 : i32
    %scan3A_24 = arith.addi %scan3A_22, %scan3A_23 : i32
    %scan3A_25 = arith.constant 1 : i32
    scf.for %scan3A_50 = %scan3A_22 to %scan3A_24 step %scan3A_25  : i32 {
      %jit3A = arith.constant 2 : i32
      %eq3A = arith.constant 0 : i32
      %eq3A_51 = arith.cmpi eq, %jit3A, %eq3A : i32
      %jit3A_52 = arith.constant 1 : i32
      %select_n3A = arith.select %eq3A_51, %jit3A_52, %jit3A : i32
      %rem3A = arith.remsi %scan3A_50, %select_n3A : i32
      %ne3A = arith.constant 0 : i32
      %ne3A_53 = arith.cmpi ne, %rem3A, %ne3A : i32
      %lt3A = arith.constant 0 : i32
      %lt3A_54 = arith.cmpi slt, %rem3A, %lt3A : i32
      %lt3A_55 = arith.constant 0 : i32
      %lt3A_56 = arith.cmpi slt, %select_n3A, %lt3A_55 : i32
      %ne3A_57 = arith.xori %lt3A_54, %lt3A_56 : i1
      %and3A = arith.andi %ne3A_57, %ne3A_53 : i1
      %add3A_58 = arith.addi %rem3A, %select_n3A : i32
      %select_n3A_59 = arith.select %and3A, %add3A_58, %rem3A : i32
      %eq3A_60 = arith.constant 0 : i32
      %eq3A_61 = arith.cmpi eq, %select_n3A_59, %eq3A_60 : i32
      %convert_element_type3A = arith.extui %eq3A_61 : i1 to i32
      %cond3A = arith.constant 0 : i32
      %cond3A_62 = arith.cmpi ne, %convert_element_type3A, %cond3A : i32
      scf.if %cond3A_62 {
        %mul3A_84 = arith.constant 80 : i32
        %mul3A_85 = arith.muli %scan3A_50, %mul3A_84 : i32
        %dma_wait3A_86 = tpu.memref_slice %arg8[%mul3A_85] : memref<10000xi32, #tpu.memory_space<vmem>> -> memref<80xi32, #tpu.memory_space<vmem>>
        %dma_wait3A_87 = arith.constant 0 : i32
        %dma_wait3A_88 = arith.constant 0 : i32
        %dma_wait3A_89 = tpu.memref_slice %arg2[%dma_wait3A_87, %dma_wait3A_88] : memref<10000x128xf32, #tpu.memory_space<hbm>> -> memref<10000x128xf32, #tpu.memory_space<hbm>>
        tpu.wait_indirect_dma semaphore(%arg14 : memref<!tpu.dma_semaphore, #tpu.memory_space<semaphore_mem>>) src(%dma_wait3A_89 : memref<10000x128xf32, #tpu.memory_space<hbm>>) dst(%arg10 : memref<80x128xf32, #tpu.memory_space<vmem>>)
        %mul3A_90 = arith.constant 80 : i32
        %mul3A_91 = arith.muli %scan3A_50, %mul3A_90 : i32
        %add3A_92 = arith.addi %mul3A_2, %mul3A_91 : i32
        %dma_start3A_93 = arith.constant 0 : i32
        %dma_start3A_94 = tpu.memref_slice %arg6[%add3A_92, %dma_start3A_93] : memref<320000x128xf32, #tpu.memory_space<hbm>> -> memref<80x128xf32, #tpu.memory_space<hbm>>
        %dma_start3A_95 = arith.constant 0 : i32
        %dma_start3A_96 = tpu.memref_slice %arg6[%add3A_92, %dma_start3A_95] : memref<320000x128xf32, #tpu.memory_space<hbm>> -> memref<80x128xf32, #tpu.memory_space<hbm>>
        tpu.enqueue_dma source(%arg10 : memref<80x128xf32, #tpu.memory_space<vmem>>) target(%dma_start3A_96 : memref<80x128xf32, #tpu.memory_space<hbm>>) target_semaphore(%arg18 : memref<!tpu.dma_semaphore, #tpu.memory_space<semaphore_mem>>)
        %mul3A_97 = arith.constant 80 : i32
        %mul3A_98 = arith.muli %scan3A_50, %mul3A_97 : i32
        %dma_wait3A_99 = tpu.memref_slice %arg9[%mul3A_98] : memref<10000xi32, #tpu.memory_space<vmem>> -> memref<80xi32, #tpu.memory_space<vmem>>
        %dma_wait3A_100 = arith.constant 0 : i32
        %dma_wait3A_101 = arith.constant 0 : i32
        %dma_wait3A_102 = tpu.memref_slice %arg3[%dma_wait3A_100, %dma_wait3A_101] : memref<10000x128xf32, #tpu.memory_space<hbm>> -> memref<10000x128xf32, #tpu.memory_space<hbm>>
        tpu.wait_indirect_dma semaphore(%arg16 : memref<!tpu.dma_semaphore, #tpu.memory_space<semaphore_mem>>) src(%dma_wait3A_102 : memref<10000x128xf32, #tpu.memory_space<hbm>>) dst(%arg12 : memref<80x128xf32, #tpu.memory_space<vmem>>)
        %mul3A_103 = arith.constant 80 : i32
        %mul3A_104 = arith.muli %scan3A_50, %mul3A_103 : i32
        %add3A_105 = arith.addi %mul3A_2, %mul3A_104 : i32
        %dma_start3A_106 = arith.constant 0 : i32
        %dma_start3A_107 = tpu.memref_slice %arg7[%add3A_105, %dma_start3A_106] : memref<320000x128xf32, #tpu.memory_space<hbm>> -> memref<80x128xf32, #tpu.memory_space<hbm>>
        %dma_start3A_108 = arith.constant 0 : i32
        %dma_start3A_109 = tpu.memref_slice %arg7[%add3A_105, %dma_start3A_108] : memref<320000x128xf32, #tpu.memory_space<hbm>> -> memref<80x128xf32, #tpu.memory_space<hbm>>
        tpu.enqueue_dma source(%arg12 : memref<80x128xf32, #tpu.memory_space<vmem>>) target(%dma_start3A_109 : memref<80x128xf32, #tpu.memory_space<hbm>>) target_semaphore(%arg20 : memref<!tpu.dma_semaphore, #tpu.memory_space<semaphore_mem>>)
        %add3A_110 = arith.constant 2 : i32
        %add3A_111 = arith.addi %scan3A_50, %add3A_110 : i32
        %lt3A_112 = arith.constant 125 : i32
        %lt3A_113 = arith.cmpi slt, %add3A_111, %lt3A_112 : i32
        %convert_element_type3A_114 = arith.extui %lt3A_113 : i1 to i32
        %cond3A_115 = arith.constant 0 : i32
        %cond3A_116 = arith.cmpi ne, %convert_element_type3A_114, %cond3A_115 : i32
        scf.if %cond3A_116 {
          %mul3A_117 = arith.constant 80 : i32
          %mul3A_118 = arith.muli %scan3A_50, %mul3A_117 : i32
          %add3A_119 = arith.addi %mul3A_2, %mul3A_118 : i32
          %dma_wait3A_120 = arith.constant 0 : i32
          %dma_wait3A_121 = tpu.memref_slice %arg6[%add3A_119, %dma_wait3A_120] : memref<320000x128xf32, #tpu.memory_space<hbm>> -> memref<80x128xf32, #tpu.memory_space<hbm>>
          %dma_wait3A_122 = arith.constant 0 : i32
          %dma_wait3A_123 = tpu.memref_slice %arg6[%add3A_119, %dma_wait3A_122] : memref<320000x128xf32, #tpu.memory_space<hbm>> -> memref<80x128xf32, #tpu.memory_space<hbm>>
          tpu.wait_dma2 semaphore(%arg18 : memref<!tpu.dma_semaphore, #tpu.memory_space<semaphore_mem>>) src(%arg10 : memref<80x128xf32, #tpu.memory_space<vmem>>) dst(%dma_wait3A_123 : memref<80x128xf32, #tpu.memory_space<hbm>>)
          %mul3A_124 = arith.constant 80 : i32
          %mul3A_125 = arith.muli %scan3A_50, %mul3A_124 : i32
          %add3A_126 = arith.addi %mul3A_2, %mul3A_125 : i32
          %dma_wait3A_127 = arith.constant 0 : i32
          %dma_wait3A_128 = tpu.memref_slice %arg7[%add3A_126, %dma_wait3A_127] : memref<320000x128xf32, #tpu.memory_space<hbm>> -> memref<80x128xf32, #tpu.memory_space<hbm>>
          %dma_wait3A_129 = arith.constant 0 : i32
          %dma_wait3A_130 = tpu.memref_slice %arg7[%add3A_126, %dma_wait3A_129] : memref<320000x128xf32, #tpu.memory_space<hbm>> -> memref<80x128xf32, #tpu.memory_space<hbm>>
          tpu.wait_dma2 semaphore(%arg20 : memref<!tpu.dma_semaphore, #tpu.memory_space<semaphore_mem>>) src(%arg12 : memref<80x128xf32, #tpu.memory_space<vmem>>) dst(%dma_wait3A_130 : memref<80x128xf32, #tpu.memory_space<hbm>>)
          %add3A_131 = arith.constant 2 : i32
          %add3A_132 = arith.addi %scan3A_50, %add3A_131 : i32
          %mul3A_133 = arith.constant 80 : i32
          %mul3A_134 = arith.muli %add3A_132, %mul3A_133 : i32
          %dma_start3A_135 = tpu.memref_slice %arg8[%mul3A_134] : memref<10000xi32, #tpu.memory_space<vmem>> -> memref<80xi32, #tpu.memory_space<vmem>>
          %dma_start3A_136 = arith.constant 0 : i32
          %dma_start3A_137 = arith.constant 0 : i32
          %dma_start3A_138 = tpu.memref_slice %arg2[%dma_start3A_136, %dma_start3A_137] : memref<10000x128xf32, #tpu.memory_space<hbm>> -> memref<10000x128xf32, #tpu.memory_space<hbm>>
          tpu.enqueue_indirect_dma source(%dma_start3A_138 : memref<10000x128xf32, #tpu.memory_space<hbm>>) target(%arg10 : memref<80x128xf32, #tpu.memory_space<vmem>>) offsets(%dma_start3A_135 : memref<80xi32, #tpu.memory_space<vmem>>) semaphore(%arg14 : memref<!tpu.dma_semaphore, #tpu.memory_space<semaphore_mem>>)
          %add3A_139 = arith.constant 2 : i32
          %add3A_140 = arith.addi %scan3A_50, %add3A_139 : i32
          %mul3A_141 = arith.constant 80 : i32
          %mul3A_142 = arith.muli %add3A_140, %mul3A_141 : i32
          %dma_start3A_143 = tpu.memref_slice %arg9[%mul3A_142] : memref<10000xi32, #tpu.memory_space<vmem>> -> memref<80xi32, #tpu.memory_space<vmem>>
          %dma_start3A_144 = arith.constant 0 : i32
          %dma_start3A_145 = arith.constant 0 : i32
          %dma_start3A_146 = tpu.memref_slice %arg3[%dma_start3A_144, %dma_start3A_145] : memref<10000x128xf32, #tpu.memory_space<hbm>> -> memref<10000x128xf32, #tpu.memory_space<hbm>>
          tpu.enqueue_indirect_dma source(%dma_start3A_146 : memref<10000x128xf32, #tpu.memory_space<hbm>>) target(%arg12 : memref<80x128xf32, #tpu.memory_space<vmem>>) offsets(%dma_start3A_143 : memref<80xi32, #tpu.memory_space<vmem>>) semaphore(%arg16 : memref<!tpu.dma_semaphore, #tpu.memory_space<semaphore_mem>>)
        } else {
        }
      } else {
      }
      %jit3A_63 = arith.constant 2 : i32
      %eq3A_64 = arith.constant 0 : i32
      %eq3A_65 = arith.cmpi eq, %jit3A_63, %eq3A_64 : i32
      %jit3A_66 = arith.constant 1 : i32
      %select_n3A_67 = arith.select %eq3A_65, %jit3A_66, %jit3A_63 : i32
      %rem3A_68 = arith.remsi %scan3A_50, %select_n3A_67 : i32
      %ne3A_69 = arith.constant 0 : i32
      %ne3A_70 = arith.cmpi ne, %rem3A_68, %ne3A_69 : i32
      %lt3A_71 = arith.constant 0 : i32
      %lt3A_72 = arith.cmpi slt, %rem3A_68, %lt3A_71 : i32
      %lt3A_73 = arith.constant 0 : i32
      %lt3A_74 = arith.cmpi slt, %select_n3A_67, %lt3A_73 : i32
      %ne3A_75 = arith.xori %lt3A_72, %lt3A_74 : i1
      %and3A_76 = arith.andi %ne3A_75, %ne3A_70 : i1
      %add3A_77 = arith.addi %rem3A_68, %select_n3A_67 : i32
      %select_n3A_78 = arith.select %and3A_76, %add3A_77, %rem3A_68 : i32
      %eq3A_79 = arith.constant 1 : i32
      %eq3A_80 = arith.cmpi eq, %select_n3A_78, %eq3A_79 : i32
      %convert_element_type3A_81 = arith.extui %eq3A_80 : i1 to i32
      %cond3A_82 = arith.constant 0 : i32
      %cond3A_83 = arith.cmpi ne, %convert_element_type3A_81, %cond3A_82 : i32
      scf.if %cond3A_83 {
        %mul3A_84 = arith.constant 80 : i32
        %mul3A_85 = arith.muli %scan3A_50, %mul3A_84 : i32
        %dma_wait3A_86 = tpu.memref_slice %arg8[%mul3A_85] : memref<10000xi32, #tpu.memory_space<vmem>> -> memref<80xi32, #tpu.memory_space<vmem>>
        %dma_wait3A_87 = arith.constant 0 : i32
        %dma_wait3A_88 = arith.constant 0 : i32
        %dma_wait3A_89 = tpu.memref_slice %arg2[%dma_wait3A_87, %dma_wait3A_88] : memref<10000x128xf32, #tpu.memory_space<hbm>> -> memref<10000x128xf32, #tpu.memory_space<hbm>>
        tpu.wait_indirect_dma semaphore(%arg15 : memref<!tpu.dma_semaphore, #tpu.memory_space<semaphore_mem>>) src(%dma_wait3A_89 : memref<10000x128xf32, #tpu.memory_space<hbm>>) dst(%arg11 : memref<80x128xf32, #tpu.memory_space<vmem>>)
        %mul3A_90 = arith.constant 80 : i32
        %mul3A_91 = arith.muli %scan3A_50, %mul3A_90 : i32
        %add3A_92 = arith.addi %mul3A_2, %mul3A_91 : i32
        %dma_start3A_93 = arith.constant 0 : i32
        %dma_start3A_94 = tpu.memref_slice %arg6[%add3A_92, %dma_start3A_93] : memref<320000x128xf32, #tpu.memory_space<hbm>> -> memref<80x128xf32, #tpu.memory_space<hbm>>
        %dma_start3A_95 = arith.constant 0 : i32
        %dma_start3A_96 = tpu.memref_slice %arg6[%add3A_92, %dma_start3A_95] : memref<320000x128xf32, #tpu.memory_space<hbm>> -> memref<80x128xf32, #tpu.memory_space<hbm>>
        tpu.enqueue_dma source(%arg11 : memref<80x128xf32, #tpu.memory_space<vmem>>) target(%dma_start3A_96 : memref<80x128xf32, #tpu.memory_space<hbm>>) target_semaphore(%arg19 : memref<!tpu.dma_semaphore, #tpu.memory_space<semaphore_mem>>)
        %mul3A_97 = arith.constant 80 : i32
        %mul3A_98 = arith.muli %scan3A_50, %mul3A_97 : i32
        %dma_wait3A_99 = tpu.memref_slice %arg9[%mul3A_98] : memref<10000xi32, #tpu.memory_space<vmem>> -> memref<80xi32, #tpu.memory_space<vmem>>
        %dma_wait3A_100 = arith.constant 0 : i32
        %dma_wait3A_101 = arith.constant 0 : i32
        %dma_wait3A_102 = tpu.memref_slice %arg3[%dma_wait3A_100, %dma_wait3A_101] : memref<10000x128xf32, #tpu.memory_space<hbm>> -> memref<10000x128xf32, #tpu.memory_space<hbm>>
        tpu.wait_indirect_dma semaphore(%arg17 : memref<!tpu.dma_semaphore, #tpu.memory_space<semaphore_mem>>) src(%dma_wait3A_102 : memref<10000x128xf32, #tpu.memory_space<hbm>>) dst(%arg13 : memref<80x128xf32, #tpu.memory_space<vmem>>)
        %mul3A_103 = arith.constant 80 : i32
        %mul3A_104 = arith.muli %scan3A_50, %mul3A_103 : i32
        %add3A_105 = arith.addi %mul3A_2, %mul3A_104 : i32
        %dma_start3A_106 = arith.constant 0 : i32
        %dma_start3A_107 = tpu.memref_slice %arg7[%add3A_105, %dma_start3A_106] : memref<320000x128xf32, #tpu.memory_space<hbm>> -> memref<80x128xf32, #tpu.memory_space<hbm>>
        %dma_start3A_108 = arith.constant 0 : i32
        %dma_start3A_109 = tpu.memref_slice %arg7[%add3A_105, %dma_start3A_108] : memref<320000x128xf32, #tpu.memory_space<hbm>> -> memref<80x128xf32, #tpu.memory_space<hbm>>
        tpu.enqueue_dma source(%arg13 : memref<80x128xf32, #tpu.memory_space<vmem>>) target(%dma_start3A_109 : memref<80x128xf32, #tpu.memory_space<hbm>>) target_semaphore(%arg21 : memref<!tpu.dma_semaphore, #tpu.memory_space<semaphore_mem>>)
        %add3A_110 = arith.constant 2 : i32
        %add3A_111 = arith.addi %scan3A_50, %add3A_110 : i32
        %lt3A_112 = arith.constant 125 : i32
        %lt3A_113 = arith.cmpi slt, %add3A_111, %lt3A_112 : i32
        %convert_element_type3A_114 = arith.extui %lt3A_113 : i1 to i32
        %cond3A_115 = arith.constant 0 : i32
        %cond3A_116 = arith.cmpi ne, %convert_element_type3A_114, %cond3A_115 : i32
        scf.if %cond3A_116 {
          %mul3A_117 = arith.constant 80 : i32
          %mul3A_118 = arith.muli %scan3A_50, %mul3A_117 : i32
          %add3A_119 = arith.addi %mul3A_2, %mul3A_118 : i32
          %dma_wait3A_120 = arith.constant 0 : i32
          %dma_wait3A_121 = tpu.memref_slice %arg6[%add3A_119, %dma_wait3A_120] : memref<320000x128xf32, #tpu.memory_space<hbm>> -> memref<80x128xf32, #tpu.memory_space<hbm>>
          %dma_wait3A_122 = arith.constant 0 : i32
          %dma_wait3A_123 = tpu.memref_slice %arg6[%add3A_119, %dma_wait3A_122] : memref<320000x128xf32, #tpu.memory_space<hbm>> -> memref<80x128xf32, #tpu.memory_space<hbm>>
          tpu.wait_dma2 semaphore(%arg19 : memref<!tpu.dma_semaphore, #tpu.memory_space<semaphore_mem>>) src(%arg11 : memref<80x128xf32, #tpu.memory_space<vmem>>) dst(%dma_wait3A_123 : memref<80x128xf32, #tpu.memory_space<hbm>>)
          %mul3A_124 = arith.constant 80 : i32
          %mul3A_125 = arith.muli %scan3A_50, %mul3A_124 : i32
          %add3A_126 = arith.addi %mul3A_2, %mul3A_125 : i32
          %dma_wait3A_127 = arith.constant 0 : i32
          %dma_wait3A_128 = tpu.memref_slice %arg7[%add3A_126, %dma_wait3A_127] : memref<320000x128xf32, #tpu.memory_space<hbm>> -> memref<80x128xf32, #tpu.memory_space<hbm>>
          %dma_wait3A_129 = arith.constant 0 : i32
          %dma_wait3A_130 = tpu.memref_slice %arg7[%add3A_126, %dma_wait3A_129] : memref<320000x128xf32, #tpu.memory_space<hbm>> -> memref<80x128xf32, #tpu.memory_space<hbm>>
          tpu.wait_dma2 semaphore(%arg21 : memref<!tpu.dma_semaphore, #tpu.memory_space<semaphore_mem>>) src(%arg13 : memref<80x128xf32, #tpu.memory_space<vmem>>) dst(%dma_wait3A_130 : memref<80x128xf32, #tpu.memory_space<hbm>>)
          %add3A_131 = arith.constant 2 : i32
          %add3A_132 = arith.addi %scan3A_50, %add3A_131 : i32
          %mul3A_133 = arith.constant 80 : i32
          %mul3A_134 = arith.muli %add3A_132, %mul3A_133 : i32
          %dma_start3A_135 = tpu.memref_slice %arg8[%mul3A_134] : memref<10000xi32, #tpu.memory_space<vmem>> -> memref<80xi32, #tpu.memory_space<vmem>>
          %dma_start3A_136 = arith.constant 0 : i32
          %dma_start3A_137 = arith.constant 0 : i32
          %dma_start3A_138 = tpu.memref_slice %arg2[%dma_start3A_136, %dma_start3A_137] : memref<10000x128xf32, #tpu.memory_space<hbm>> -> memref<10000x128xf32, #tpu.memory_space<hbm>>
          tpu.enqueue_indirect_dma source(%dma_start3A_138 : memref<10000x128xf32, #tpu.memory_space<hbm>>) target(%arg11 : memref<80x128xf32, #tpu.memory_space<vmem>>) offsets(%dma_start3A_135 : memref<80xi32, #tpu.memory_space<vmem>>) semaphore(%arg15 : memref<!tpu.dma_semaphore, #tpu.memory_space<semaphore_mem>>)
          %add3A_139 = arith.constant 2 : i32
          %add3A_140 = arith.addi %scan3A_50, %add3A_139 : i32
          %mul3A_141 = arith.constant 80 : i32
          %mul3A_142 = arith.muli %add3A_140, %mul3A_141 : i32
          %dma_start3A_143 = tpu.memref_slice %arg9[%mul3A_142] : memref<10000xi32, #tpu.memory_space<vmem>> -> memref<80xi32, #tpu.memory_space<vmem>>
          %dma_start3A_144 = arith.constant 0 : i32
          %dma_start3A_145 = arith.constant 0 : i32
          %dma_start3A_146 = tpu.memref_slice %arg3[%dma_start3A_144, %dma_start3A_145] : memref<10000x128xf32, #tpu.memory_space<hbm>> -> memref<10000x128xf32, #tpu.memory_space<hbm>>
          tpu.enqueue_indirect_dma source(%dma_start3A_146 : memref<10000x128xf32, #tpu.memory_space<hbm>>) target(%arg13 : memref<80x128xf32, #tpu.memory_space<vmem>>) offsets(%dma_start3A_143 : memref<80xi32, #tpu.memory_space<vmem>>) semaphore(%arg17 : memref<!tpu.dma_semaphore, #tpu.memory_space<semaphore_mem>>)
        } else {
        }
      } else {
      }
    }
    %scan3A_26 = arith.constant 125 : i32
    %add3A_27 = arith.constant 9840 : i32
    %add3A_28 = arith.addi %mul3A_2, %add3A_27 : i32
    %dma_wait3A = arith.constant 0 : i32
    %dma_wait3A_29 = tpu.memref_slice %arg6[%add3A_28, %dma_wait3A] : memref<320000x128xf32, #tpu.memory_space<hbm>> -> memref<80x128xf32, #tpu.memory_space<hbm>>
    %dma_wait3A_30 = arith.constant 0 : i32
    %dma_wait3A_31 = tpu.memref_slice %arg6[%add3A_28, %dma_wait3A_30] : memref<320000x128xf32, #tpu.memory_space<hbm>> -> memref<80x128xf32, #tpu.memory_space<hbm>>
    tpu.wait_dma2 semaphore(%arg19 : memref<!tpu.dma_semaphore, #tpu.memory_space<semaphore_mem>>) src(%arg11 : memref<80x128xf32, #tpu.memory_space<vmem>>) dst(%dma_wait3A_31 : memref<80x128xf32, #tpu.memory_space<hbm>>)
    %add3A_32 = arith.constant 9920 : i32
    %add3A_33 = arith.addi %mul3A_2, %add3A_32 : i32
    %dma_wait3A_34 = arith.constant 0 : i32
    %dma_wait3A_35 = tpu.memref_slice %arg6[%add3A_33, %dma_wait3A_34] : memref<320000x128xf32, #tpu.memory_space<hbm>> -> memref<80x128xf32, #tpu.memory_space<hbm>>
    %dma_wait3A_36 = arith.constant 0 : i32
    %dma_wait3A_37 = tpu.memref_slice %arg6[%add3A_33, %dma_wait3A_36] : memref<320000x128xf32, #tpu.memory_space<hbm>> -> memref<80x128xf32, #tpu.memory_space<hbm>>
    tpu.wait_dma2 semaphore(%arg18 : memref<!tpu.dma_semaphore, #tpu.memory_space<semaphore_mem>>) src(%arg10 : memref<80x128xf32, #tpu.memory_space<vmem>>) dst(%dma_wait3A_37 : memref<80x128xf32, #tpu.memory_space<hbm>>)
    %add3A_38 = arith.constant 9840 : i32
    %add3A_39 = arith.addi %mul3A_2, %add3A_38 : i32
    %dma_wait3A_40 = arith.constant 0 : i32
    %dma_wait3A_41 = tpu.memref_slice %arg7[%add3A_39, %dma_wait3A_40] : memref<320000x128xf32, #tpu.memory_space<hbm>> -> memref<80x128xf32, #tpu.memory_space<hbm>>
    %dma_wait3A_42 = arith.constant 0 : i32
    %dma_wait3A_43 = tpu.memref_slice %arg7[%add3A_39, %dma_wait3A_42] : memref<320000x128xf32, #tpu.memory_space<hbm>> -> memref<80x128xf32, #tpu.memory_space<hbm>>
    tpu.wait_dma2 semaphore(%arg21 : memref<!tpu.dma_semaphore, #tpu.memory_space<semaphore_mem>>) src(%arg13 : memref<80x128xf32, #tpu.memory_space<vmem>>) dst(%dma_wait3A_43 : memref<80x128xf32, #tpu.memory_space<hbm>>)
    %add3A_44 = arith.constant 9920 : i32
    %add3A_45 = arith.addi %mul3A_2, %add3A_44 : i32
    %dma_wait3A_46 = arith.constant 0 : i32
    %dma_wait3A_47 = tpu.memref_slice %arg7[%add3A_45, %dma_wait3A_46] : memref<320000x128xf32, #tpu.memory_space<hbm>> -> memref<80x128xf32, #tpu.memory_space<hbm>>
    %dma_wait3A_48 = arith.constant 0 : i32
    %dma_wait3A_49 = tpu.memref_slice %arg7[%add3A_45, %dma_wait3A_48] : memref<320000x128xf32, #tpu.memory_space<hbm>> -> memref<80x128xf32, #tpu.memory_space<hbm>>
    tpu.wait_dma2 semaphore(%arg20 : memref<!tpu.dma_semaphore, #tpu.memory_space<semaphore_mem>>) src(%arg12 : memref<80x128xf32, #tpu.memory_space<vmem>>) dst(%dma_wait3A_49 : memref<80x128xf32, #tpu.memory_space<hbm>>)
    return
  }
}

module attributes {stable_mosaic.version = 14 : i64} {
  func.func @_k1_body(%arg0: i32, %arg1: memref<1000x128xf32, #tpu.memory_space<vmem>>, %arg2: memref<128x256xf32, #tpu.memory_space<vmem>>, %arg3: memref<128x256xf32, #tpu.memory_space<vmem>>, %arg4: memref<1000x128xf32, #tpu.memory_space<vmem>>, %arg5: memref<1000x128xf32, #tpu.memory_space<vmem>>) attributes {dimension_semantics = [#tpu.dimension_semantics<arbitrary>], iteration_bounds = array<i64: 10>, scalar_prefetch = 0 : i64, scratch_operands = 0 : i64, tpu.core_type = #tpu.core_type<tc>, window_params = [{transform_indices = @transform_0, window_bounds = array<i64: 1000, 128>}, {pipeline_mode = #tpu.pipeline_mode<synchronous>, transform_indices = @transform_1, window_bounds = array<i64: 128, 256>}, {pipeline_mode = #tpu.pipeline_mode<synchronous>, transform_indices = @transform_2, window_bounds = array<i64: 128, 256>}, {transform_indices = @transform_3, window_bounds = array<i64: 1000, 128>}, {transform_indices = @transform_4, window_bounds = array<i64: 1000, 128>}]} {
    %get3A = arith.constant 0 : index
    %get3A_0 = arith.constant 0 : index
    %get3A_1 = vector.load %arg1[%get3A, %get3A_0] : memref<1000x128xf32, #tpu.memory_space<vmem>>, vector<1000x128xf32>
    %get3A_2 = arith.constant 0 : index
    %get3A_3 = arith.constant 0 : index
    %get3A_4 = vector.load %arg2[%get3A_2, %get3A_3] : memref<128x256xf32, #tpu.memory_space<vmem>>, vector<128x256xf32>
    %dot_general3A = arith.constant dense<0.000000e+00> : vector<1000x256xf32>
    %dot_general3A_5 = tpu.matmul %get3A_1, %get3A_4, %dot_general3A {dimension_numbers = #tpu.dot_dimension_numbers<[1], [0], [0], [1], [0, 0, 1, 1], [], []>, transpose_lhs_hint = false} : vector<1000x128xf32>, vector<128x256xf32>, vector<1000x256xf32> -> vector<1000x256xf32>
    %slice3A = vector.extract_strided_slice %dot_general3A_5 {offsets = [0, 0], sizes = [1000, 128], strides = [1, 1]} : vector<1000x256xf32> to vector<1000x128xf32>
    %bitcast_convert_type3A = tpu.bitcast %slice3A : vector<1000x128xf32> -> vector<1000x128xi32>
    %slice3A_6 = vector.extract_strided_slice %dot_general3A_5 {offsets = [0, 128], sizes = [1000, 128], strides = [1, 1]} : vector<1000x256xf32> to vector<1000x128xf32>
    %bitcast_convert_type3A_7 = tpu.bitcast %slice3A_6 : vector<1000x128xf32> -> vector<1000x128xi32>
    %add3A = arith.constant 32767 : i32
    %add3A_8 = vector.broadcast %add3A : i32 to vector<1000x128xi32>
    %add3A_9 = arith.addi %bitcast_convert_type3A, %add3A_8 : vector<1000x128xi32>
    %shift_right_arithmetic3A = arith.constant 16 : i32
    %shift_right_arithmetic3A_10 = vector.broadcast %shift_right_arithmetic3A : i32 to vector<1000x128xi32>
    %shift_right_arithmetic3A_11 = arith.shrsi %bitcast_convert_type3A, %shift_right_arithmetic3A_10 : vector<1000x128xi32>
    %and3A = arith.constant 1 : i32
    %and3A_12 = vector.broadcast %and3A : i32 to vector<1000x128xi32>
    %and3A_13 = arith.andi %shift_right_arithmetic3A_11, %and3A_12 : vector<1000x128xi32>
    %add3A_14 = arith.addi %add3A_9, %and3A_13 : vector<1000x128xi32>
    %and3A_15 = arith.constant -65536 : i32
    %and3A_16 = vector.broadcast %and3A_15 : i32 to vector<1000x128xi32>
    %and3A_17 = arith.andi %add3A_14, %and3A_16 : vector<1000x128xi32>
    %add3A_18 = arith.constant 32767 : i32
    %add3A_19 = vector.broadcast %add3A_18 : i32 to vector<1000x128xi32>
    %add3A_20 = arith.addi %bitcast_convert_type3A_7, %add3A_19 : vector<1000x128xi32>
    %shift_right_arithmetic3A_21 = arith.constant 16 : i32
    %shift_right_arithmetic3A_22 = vector.broadcast %shift_right_arithmetic3A_21 : i32 to vector<1000x128xi32>
    %shift_right_arithmetic3A_23 = arith.shrsi %bitcast_convert_type3A_7, %shift_right_arithmetic3A_22 : vector<1000x128xi32>
    %and3A_24 = arith.constant 1 : i32
    %and3A_25 = vector.broadcast %and3A_24 : i32 to vector<1000x128xi32>
    %and3A_26 = arith.andi %shift_right_arithmetic3A_23, %and3A_25 : vector<1000x128xi32>
    %add3A_27 = arith.addi %add3A_20, %and3A_26 : vector<1000x128xi32>
    %and3A_28 = arith.constant -65536 : i32
    %and3A_29 = vector.broadcast %and3A_28 : i32 to vector<1000x128xi32>
    %and3A_30 = arith.andi %add3A_27, %and3A_29 : vector<1000x128xi32>
    %shift_right_arithmetic3A_31 = arith.constant 16 : i32
    %shift_right_arithmetic3A_32 = vector.broadcast %shift_right_arithmetic3A_31 : i32 to vector<1000x128xi32>
    %shift_right_arithmetic3A_33 = arith.shrsi %and3A_30, %shift_right_arithmetic3A_32 : vector<1000x128xi32>
    %and3A_34 = arith.constant 65535 : i32
    %and3A_35 = vector.broadcast %and3A_34 : i32 to vector<1000x128xi32>
    %and3A_36 = arith.andi %shift_right_arithmetic3A_33, %and3A_35 : vector<1000x128xi32>
    %or3A = arith.ori %and3A_17, %and3A_36 : vector<1000x128xi32>
    %bitcast_convert_type3A_37 = tpu.bitcast %or3A : vector<1000x128xi32> -> vector<1000x128xf32>
    %swap3A = arith.constant 0 : index
    %swap3A_38 = arith.constant 0 : index
    %swap3A_39 = vector.load %arg4[%swap3A, %swap3A_38] : memref<1000x128xf32, #tpu.memory_space<vmem>>, vector<1000x128xf32>
    tpu.vector_store %arg4[%swap3A, %swap3A_38], %bitcast_convert_type3A_37 {strides = array<i32>} : memref<1000x128xf32, #tpu.memory_space<vmem>>, vector<1000x128xf32>,
    %get3A_40 = arith.constant 0 : index
    %get3A_41 = arith.constant 0 : index
    %get3A_42 = vector.load %arg3[%get3A_40, %get3A_41] : memref<128x256xf32, #tpu.memory_space<vmem>>, vector<128x256xf32>
    %dot_general3A_43 = arith.constant dense<0.000000e+00> : vector<1000x256xf32>
    %dot_general3A_44 = tpu.matmul %get3A_1, %get3A_42, %dot_general3A_43 {dimension_numbers = #tpu.dot_dimension_numbers<[1], [0], [0], [1], [0, 0, 1, 1], [], []>, transpose_lhs_hint = false} : vector<1000x128xf32>, vector<128x256xf32>, vector<1000x256xf32> -> vector<1000x256xf32>
    %slice3A_45 = vector.extract_strided_slice %dot_general3A_44 {offsets = [0, 0], sizes = [1000, 128], strides = [1, 1]} : vector<1000x256xf32> to vector<1000x128xf32>
    %bitcast_convert_type3A_46 = tpu.bitcast %slice3A_45 : vector<1000x128xf32> -> vector<1000x128xi32>
    %slice3A_47 = vector.extract_strided_slice %dot_general3A_44 {offsets = [0, 128], sizes = [1000, 128], strides = [1, 1]} : vector<1000x256xf32> to vector<1000x128xf32>
    %bitcast_convert_type3A_48 = tpu.bitcast %slice3A_47 : vector<1000x128xf32> -> vector<1000x128xi32>
    %add3A_49 = arith.constant 32767 : i32
    %add3A_50 = vector.broadcast %add3A_49 : i32 to vector<1000x128xi32>
    %add3A_51 = arith.addi %bitcast_convert_type3A_46, %add3A_50 : vector<1000x128xi32>
    %shift_right_arithmetic3A_52 = arith.constant 16 : i32
    %shift_right_arithmetic3A_53 = vector.broadcast %shift_right_arithmetic3A_52 : i32 to vector<1000x128xi32>
    %shift_right_arithmetic3A_54 = arith.shrsi %bitcast_convert_type3A_46, %shift_right_arithmetic3A_53 : vector<1000x128xi32>
    %and3A_55 = arith.constant 1 : i32
    %and3A_56 = vector.broadcast %and3A_55 : i32 to vector<1000x128xi32>
    %and3A_57 = arith.andi %shift_right_arithmetic3A_54, %and3A_56 : vector<1000x128xi32>
    %add3A_58 = arith.addi %add3A_51, %and3A_57 : vector<1000x128xi32>
    %and3A_59 = arith.constant -65536 : i32
    %and3A_60 = vector.broadcast %and3A_59 : i32 to vector<1000x128xi32>
    %and3A_61 = arith.andi %add3A_58, %and3A_60 : vector<1000x128xi32>
    %add3A_62 = arith.constant 32767 : i32
    %add3A_63 = vector.broadcast %add3A_62 : i32 to vector<1000x128xi32>
    %add3A_64 = arith.addi %bitcast_convert_type3A_48, %add3A_63 : vector<1000x128xi32>
    %shift_right_arithmetic3A_65 = arith.constant 16 : i32
    %shift_right_arithmetic3A_66 = vector.broadcast %shift_right_arithmetic3A_65 : i32 to vector<1000x128xi32>
    %shift_right_arithmetic3A_67 = arith.shrsi %bitcast_convert_type3A_48, %shift_right_arithmetic3A_66 : vector<1000x128xi32>
    %and3A_68 = arith.constant 1 : i32
    %and3A_69 = vector.broadcast %and3A_68 : i32 to vector<1000x128xi32>
    %and3A_70 = arith.andi %shift_right_arithmetic3A_67, %and3A_69 : vector<1000x128xi32>
    %add3A_71 = arith.addi %add3A_64, %and3A_70 : vector<1000x128xi32>
    %and3A_72 = arith.constant -65536 : i32
    %and3A_73 = vector.broadcast %and3A_72 : i32 to vector<1000x128xi32>
    %and3A_74 = arith.andi %add3A_71, %and3A_73 : vector<1000x128xi32>
    %shift_right_arithmetic3A_75 = arith.constant 16 : i32
    %shift_right_arithmetic3A_76 = vector.broadcast %shift_right_arithmetic3A_75 : i32 to vector<1000x128xi32>
    %shift_right_arithmetic3A_77 = arith.shrsi %and3A_74, %shift_right_arithmetic3A_76 : vector<1000x128xi32>
    %and3A_78 = arith.constant 65535 : i32
    %and3A_79 = vector.broadcast %and3A_78 : i32 to vector<1000x128xi32>
    %and3A_80 = arith.andi %shift_right_arithmetic3A_77, %and3A_79 : vector<1000x128xi32>
    %or3A_81 = arith.ori %and3A_61, %and3A_80 : vector<1000x128xi32>
    %bitcast_convert_type3A_82 = tpu.bitcast %or3A_81 : vector<1000x128xi32> -> vector<1000x128xf32>
    %swap3A_83 = arith.constant 0 : index
    %swap3A_84 = arith.constant 0 : index
    %swap3A_85 = vector.load %arg5[%swap3A_83, %swap3A_84] : memref<1000x128xf32, #tpu.memory_space<vmem>>, vector<1000x128xf32>
    tpu.vector_store %arg5[%swap3A_83, %swap3A_84], %bitcast_convert_type3A_82 {strides = array<i32>} : memref<1000x128xf32, #tpu.memory_space<vmem>>, vector<1000x128xf32>,
    return
  }
  func.func @transform_0(%arg0: i32) -> (i32, i32) {
    %c0_i32 = arith.constant 0 : i32
    %c0_i32_0 = arith.constant 0 : i32
    return %arg0, %c0_i32 : i32, i32
  }
  func.func @transform_1(%arg0: i32) -> (i32, i32) {
    %c0_i32 = arith.constant 0 : i32
    %c0_i32_0 = arith.constant 0 : i32
    %c0_i32_1 = arith.constant 0 : i32
    return %c0_i32, %c0_i32_0 : i32, i32
  }
  func.func @transform_2(%arg0: i32) -> (i32, i32) {
    %c0_i32 = arith.constant 0 : i32
    %c0_i32_0 = arith.constant 0 : i32
    %c0_i32_1 = arith.constant 0 : i32
    return %c0_i32, %c0_i32_0 : i32, i32
  }
  func.func @transform_3(%arg0: i32) -> (i32, i32) {
    %c0_i32 = arith.constant 0 : i32
    %c0_i32_0 = arith.constant 0 : i32
    return %arg0, %c0_i32 : i32, i32
  }
  func.func @transform_4(%arg0: i32) -> (i32, i32) {
    %c0_i32 = arith.constant 0 : i32
    %c0_i32_0 = arith.constant 0 : i32
    return %arg0, %c0_i32 : i32, i32
  }
}

module attributes {stable_mosaic.version = 14 : i64} {
  func.func @_k3_body(%arg0: i32, %arg1: memref<1600x128xf32, #tpu.memory_space<vmem>>, %arg2: memref<1600x128xf32, #tpu.memory_space<vmem>>, %arg3: memref<1600x16xf32, #tpu.memory_space<vmem>>, %arg4: memref<16x256xf32, #tpu.memory_space<vmem>>, %arg5: memref<1x256xf32, #tpu.memory_space<vmem>>, %arg6: memref<256x32xf32, #tpu.memory_space<vmem>>, %arg7: memref<1x32xf32, #tpu.memory_space<vmem>>, %arg8: memref<1600x16xf32, #tpu.memory_space<vmem>>, %arg9: memref<400x128xf32, #tpu.memory_space<vmem>>) attributes {dimension_semantics = [#tpu.dimension_semantics<arbitrary>], iteration_bounds = array<i64: 200>, scalar_prefetch = 0 : i64, scratch_operands = 0 : i64, tpu.core_type = #tpu.core_type<tc>, window_params = [{transform_indices = @transform_0, window_bounds = array<i64: 1600, 128>}, {transform_indices = @transform_1, window_bounds = array<i64: 1600, 128>}, {transform_indices = @transform_2, window_bounds = array<i64: 1600, 16>}, {pipeline_mode = #tpu.pipeline_mode<synchronous>, transform_indices = @transform_3, window_bounds = array<i64: 16, 256>}, {pipeline_mode = #tpu.pipeline_mode<synchronous>, transform_indices = @transform_4, window_bounds = array<i64: 1, 256>}, {pipeline_mode = #tpu.pipeline_mode<synchronous>, transform_indices = @transform_5, window_bounds = array<i64: 256, 32>}, {pipeline_mode = #tpu.pipeline_mode<synchronous>, transform_indices = @transform_6, window_bounds = array<i64: 1, 32>}, {transform_indices = @transform_7, window_bounds = array<i64: 1600, 16>}, {transform_indices = @transform_8, window_bounds = array<i64: 400, 128>}]} {
    %get3A = arith.constant 0 : index
    %get3A_0 = arith.constant 0 : index
    %get3A_1 = vector.load %arg1[%get3A, %get3A_0] : memref<1600x128xf32, #tpu.memory_space<vmem>>, vector<1600x128xf32>
    %bitcast_convert_type3A = tpu.bitcast %get3A_1 : vector<1600x128xf32> -> vector<1600x128xi32>
    %and3A = arith.constant -65536 : i32
    %and3A_2 = vector.broadcast %and3A : i32 to vector<1600x128xi32>
    %and3A_3 = arith.andi %bitcast_convert_type3A, %and3A_2 : vector<1600x128xi32>
    %bitcast_convert_type3A_4 = tpu.bitcast %and3A_3 : vector<1600x128xi32> -> vector<1600x128xf32>
    %shift_left3A = arith.constant 16 : i32
    %shift_left3A_5 = vector.broadcast %shift_left3A : i32 to vector<1600x128xi32>
    %shift_left3A_6 = arith.shli %bitcast_convert_type3A, %shift_left3A_5 : vector<1600x128xi32>
    %bitcast_convert_type3A_7 = tpu.bitcast %shift_left3A_6 : vector<1600x128xi32> -> vector<1600x128xf32>
    %get3A_8 = arith.constant 0 : index
    %get3A_9 = arith.constant 0 : index
    %get3A_10 = vector.load %arg2[%get3A_8, %get3A_9] : memref<1600x128xf32, #tpu.memory_space<vmem>>, vector<1600x128xf32>
    %bitcast_convert_type3A_11 = tpu.bitcast %get3A_10 : vector<1600x128xf32> -> vector<1600x128xi32>
    %and3A_12 = arith.constant -65536 : i32
    %and3A_13 = vector.broadcast %and3A_12 : i32 to vector<1600x128xi32>
    %and3A_14 = arith.andi %bitcast_convert_type3A_11, %and3A_13 : vector<1600x128xi32>
    %bitcast_convert_type3A_15 = tpu.bitcast %and3A_14 : vector<1600x128xi32> -> vector<1600x128xf32>
    %shift_left3A_16 = arith.constant 16 : i32
    %shift_left3A_17 = vector.broadcast %shift_left3A_16 : i32 to vector<1600x128xi32>
    %shift_left3A_18 = arith.shli %bitcast_convert_type3A_11, %shift_left3A_17 : vector<1600x128xi32>
    %bitcast_convert_type3A_19 = tpu.bitcast %shift_left3A_18 : vector<1600x128xi32> -> vector<1600x128xf32>
    %add3A = arith.addf %bitcast_convert_type3A_4, %bitcast_convert_type3A_15 : vector<1600x128xf32>
    %add3A_20 = arith.addf %bitcast_convert_type3A_7, %bitcast_convert_type3A_19 : vector<1600x128xf32>
    %concatenate3A = tpu.concatenate %add3A, %add3A_20 in 1 : vector<1600x128xf32>, vector<1600x128xf32> -> vector<1600x256xf32>
    %get3A_21 = arith.constant 0 : index
    %get3A_22 = arith.constant 0 : index
    %get3A_23 = vector.load %arg3[%get3A_21, %get3A_22] : memref<1600x16xf32, #tpu.memory_space<vmem>>, vector<1600x16xf32>
    %get3A_24 = arith.constant 0 : index
    %get3A_25 = arith.constant 0 : index
    %get3A_26 = vector.load %arg4[%get3A_24, %get3A_25] : memref<16x256xf32, #tpu.memory_space<vmem>>, vector<16x256xf32>
    %dot_general3A = arith.constant dense<0.000000e+00> : vector<1600x256xf32>
    %dot_general3A_27 = tpu.matmul %get3A_23, %get3A_26, %dot_general3A {dimension_numbers = #tpu.dot_dimension_numbers<[1], [0], [0], [1], [0, 0, 1, 1], [], []>, transpose_lhs_hint = false} : vector<1600x16xf32>, vector<16x256xf32>, vector<1600x256xf32> -> vector<1600x256xf32>
    %add3A_28 = arith.addf %concatenate3A, %dot_general3A_27 : vector<1600x256xf32>
    %get3A_29 = arith.constant 0 : index
    %get3A_30 = arith.constant 0 : index
    %get3A_31 = vector.load %arg5[%get3A_29, %get3A_30] : memref<1x256xf32, #tpu.memory_space<vmem>>, vector<1x256xf32>
    %add3A_32 = vector.broadcast %get3A_31 : vector<1x256xf32> to vector<1600x256xf32>
    %add3A_33 = arith.addf %add3A_28, %add3A_32 : vector<1600x256xf32>
    %max3A = arith.constant 0.000000e+00 : f32
    %max3A_34 = vector.broadcast %max3A : f32 to vector<1600x256xf32>
    %max3A_35 = arith.maximumf %add3A_33, %max3A_34 : vector<1600x256xf32>
    %get3A_36 = arith.constant 0 : index
    %get3A_37 = arith.constant 0 : index
    %get3A_38 = vector.load %arg6[%get3A_36, %get3A_37] : memref<256x32xf32, #tpu.memory_space<vmem>>, vector<256x32xf32>
    %dot_general3A_39 = arith.constant dense<0.000000e+00> : vector<1600x32xf32>
    %dot_general3A_40 = tpu.matmul %max3A_35, %get3A_38, %dot_general3A_39 {dimension_numbers = #tpu.dot_dimension_numbers<[1], [0], [0], [1], [0, 0, 1, 1], [], []>, transpose_lhs_hint = false} : vector<1600x256xf32>, vector<256x32xf32>, vector<1600x32xf32> -> vector<1600x32xf32>
    %get3A_41 = arith.constant 0 : index
    %get3A_42 = arith.constant 0 : index
    %get3A_43 = vector.load %arg7[%get3A_41, %get3A_42] : memref<1x32xf32, #tpu.memory_space<vmem>>, vector<1x32xf32>
    %add3A_44 = vector.broadcast %get3A_43 : vector<1x32xf32> to vector<1600x32xf32>
    %add3A_45 = arith.addf %dot_general3A_40, %add3A_44 : vector<1600x32xf32>
    %slice3A = vector.extract_strided_slice %add3A_45 {offsets = [0, 16], sizes = [1600, 1], strides = [1, 1]} : vector<1600x32xf32> to vector<1600x1xf32>
    %exp3A = math.exp %slice3A : vector<1600x1xf32>
    %iota3A = tpu.iota {dimensions = array<i32: 1>} : vector<1600x32xi32>
    %slice3A_46 = vector.extract_strided_slice %add3A_45 {offsets = [0, 0], sizes = [1600, 16], strides = [1, 1]} : vector<1600x32xf32> to vector<1600x16xf32>
    %swap3A = arith.constant 0 : index
    %swap3A_47 = arith.constant 0 : index
    %swap3A_48 = vector.load %arg8[%swap3A, %swap3A_47] : memref<1600x16xf32, #tpu.memory_space<vmem>>, vector<1600x16xf32>
    tpu.vector_store %arg8[%swap3A, %swap3A_47], %slice3A_46 {strides = array<i32>} : memref<1600x16xf32, #tpu.memory_space<vmem>>, vector<1600x16xf32>,
    %lt3A = arith.constant 16 : i32
    %lt3A_49 = vector.broadcast %lt3A : i32 to vector<1600x32xi32>
    %lt3A_50 = arith.cmpi slt, %iota3A, %lt3A_49 : vector<1600x32xi32>
    %mul3A = vector.broadcast %exp3A : vector<1600x1xf32> to vector<1600x32xf32>
    %mul3A_51 = arith.mulf %add3A_45, %mul3A : vector<1600x32xf32>
    %eq3A = arith.constant 16 : i32
    %eq3A_52 = vector.broadcast %eq3A : i32 to vector<1600x32xi32>
    %eq3A_53 = arith.cmpi eq, %iota3A, %eq3A_52 : vector<1600x32xi32>
    %eq3A_54 = arith.constant 17 : i32
    %eq3A_55 = vector.broadcast %eq3A_54 : i32 to vector<1600x32xi32>
    %eq3A_56 = arith.cmpi eq, %iota3A, %eq3A_55 : vector<1600x32xi32>
    %jit3A = arith.constant 1.000000e+00 : f32
    %jit3A_57 = arith.constant 0.000000e+00 : f32
    %broadcast_in_dim3A = vector.broadcast %jit3A : f32 to vector<1600x32xf32>
    %broadcast_in_dim3A_58 = vector.broadcast %jit3A_57 : f32 to vector<1600x32xf32>
    %select_n3A = arith.select %eq3A_56, %broadcast_in_dim3A, %broadcast_in_dim3A_58 : vector<1600x32xi1>, vector<1600x32xf32>
    %broadcast_in_dim3A_59 = vector.shape_cast %exp3A : vector<1600x1xf32> to vector<1600x1xf32>
    %broadcast_in_dim3A_60 = vector.broadcast %broadcast_in_dim3A_59 : vector<1600x1xf32> to vector<1600x32xf32>
    %select_n3A_61 = arith.select %eq3A_53, %broadcast_in_dim3A_60, %select_n3A : vector<1600x32xi1>, vector<1600x32xf32>
    %select_n3A_62 = arith.select %lt3A_50, %mul3A_51, %select_n3A_61 : vector<1600x32xi1>, vector<1600x32xf32>
    %slice3A_63 = vector.extract_strided_slice %select_n3A_62 {offsets = [0, 0], sizes = [400, 32], strides = [1, 1]} : vector<1600x32xf32> to vector<400x32xf32>
    %slice3A_64 = vector.extract_strided_slice %select_n3A_62 {offsets = [400, 0], sizes = [400, 32], strides = [1, 1]} : vector<1600x32xf32> to vector<400x32xf32>
    %slice3A_65 = vector.extract_strided_slice %select_n3A_62 {offsets = [800, 0], sizes = [400, 32], strides = [1, 1]} : vector<1600x32xf32> to vector<400x32xf32>
    %slice3A_66 = vector.extract_strided_slice %select_n3A_62 {offsets = [1200, 0], sizes = [400, 32], strides = [1, 1]} : vector<1600x32xf32> to vector<400x32xf32>
    %concatenate3A_67 = tpu.concatenate %slice3A_63, %slice3A_64, %slice3A_65, %slice3A_66 in 1 : vector<400x32xf32>, vector<400x32xf32>, vector<400x32xf32>, vector<400x32xf32> -> vector<400x128xf32>
    %swap3A_68 = arith.constant 0 : index
    %swap3A_69 = arith.constant 0 : index
    %swap3A_70 = vector.load %arg9[%swap3A_68, %swap3A_69] : memref<400x128xf32, #tpu.memory_space<vmem>>, vector<400x128xf32>
    tpu.vector_store %arg9[%swap3A_68, %swap3A_69], %concatenate3A_67 {strides = array<i32>} : memref<400x128xf32, #tpu.memory_space<vmem>>, vector<400x128xf32>,
    return
  }
  func.func @transform_0(%arg0: i32) -> (i32, i32) {
    %c0_i32 = arith.constant 0 : i32
    %c0_i32_0 = arith.constant 0 : i32
    return %arg0, %c0_i32 : i32, i32
  }
  func.func @transform_1(%arg0: i32) -> (i32, i32) {
    %c0_i32 = arith.constant 0 : i32
    %c0_i32_0 = arith.constant 0 : i32
    return %arg0, %c0_i32 : i32, i32
  }
  func.func @transform_2(%arg0: i32) -> (i32, i32) {
    %c0_i32 = arith.constant 0 : i32
    %c0_i32_0 = arith.constant 0 : i32
    return %arg0, %c0_i32 : i32, i32
  }
  func.func @transform_3(%arg0: i32) -> (i32, i32) {
    %c0_i32 = arith.constant 0 : i32
    %c0_i32_0 = arith.constant 0 : i32
    %c0_i32_1 = arith.constant 0 : i32
    return %c0_i32, %c0_i32_0 : i32, i32
  }
  func.func @transform_4(%arg0: i32) -> (i32, i32) {
    %c0_i32 = arith.constant 0 : i32
    %c0_i32_0 = arith.constant 0 : i32
    %c0_i32_1 = arith.constant 0 : i32
    return %c0_i32, %c0_i32_0 : i32, i32
  }
  func.func @transform_5(%arg0: i32) -> (i32, i32) {
    %c0_i32 = arith.constant 0 : i32
    %c0_i32_0 = arith.constant 0 : i32
    %c0_i32_1 = arith.constant 0 : i32
    return %c0_i32, %c0_i32_0 : i32, i32
  }
  func.func @transform_6(%arg0: i32) -> (i32, i32) {
    %c0_i32 = arith.constant 0 : i32
    %c0_i32_0 = arith.constant 0 : i32
    %c0_i32_1 = arith.constant 0 : i32
    return %c0_i32, %c0_i32_0 : i32, i32
  }
  func.func @transform_7(%arg0: i32) -> (i32, i32) {
    %c0_i32 = arith.constant 0 : i32
    %c0_i32_0 = arith.constant 0 : i32
    return %arg0, %c0_i32 : i32, i32
  }
  func.func @transform_8(%arg0: i32) -> (i32, i32) {
    %c0_i32 = arith.constant 0 : i32
    %c0_i32_0 = arith.constant 0 : i32
    return %arg0, %c0_i32 : i32, i32
  }
}

module attributes {stable_mosaic.version = 14 : i64} {
  func.func @_k5_body(%arg0: i32, %arg1: memref<2x400x32xf32, #tpu.memory_space<vmem>>, %arg2: memref<400x128xf32, #tpu.memory_space<vmem>>, %arg3: memref<16x128xf32, #tpu.memory_space<vmem>>, %arg4: memref<128x128xf32, #tpu.memory_space<vmem>>, %arg5: memref<128x128xf32, #tpu.memory_space<vmem>>, %arg6: memref<1x128xf32, #tpu.memory_space<vmem>>, %arg7: memref<1x128xf32, #tpu.memory_space<vmem>>, %arg8: memref<400x128xf32, #tpu.memory_space<vmem>>) attributes {dimension_semantics = [#tpu.dimension_semantics<arbitrary>], iteration_bounds = array<i64: 25>, scalar_prefetch = 0 : i64, scratch_operands = 0 : i64, tpu.core_type = #tpu.core_type<tc>, window_params = [{transform_indices = @transform_0, window_bounds = array<i64: 2, 400, 32>}, {transform_indices = @transform_1, window_bounds = array<i64: 400, 128>}, {pipeline_mode = #tpu.pipeline_mode<synchronous>, transform_indices = @transform_2, window_bounds = array<i64: 16, 128>}, {pipeline_mode = #tpu.pipeline_mode<synchronous>, transform_indices = @transform_3, window_bounds = array<i64: 128, 128>}, {pipeline_mode = #tpu.pipeline_mode<synchronous>, transform_indices = @transform_4, window_bounds = array<i64: 128, 128>}, {pipeline_mode = #tpu.pipeline_mode<synchronous>, transform_indices = @transform_5, window_bounds = array<i64: 1, 128>}, {pipeline_mode = #tpu.pipeline_mode<synchronous>, transform_indices = @transform_6, window_bounds = array<i64: 1, 128>}, {transform_indices = @transform_7, window_bounds = array<i64: 400, 128>}]} {
    %get3A = arith.constant 0 : index
    %get3A_0 = arith.constant 0 : index
    %get3A_1 = arith.constant 0 : index
    %get3A_2 = vector.load %arg1[%get3A, %get3A_0, %get3A_1] : memref<2x400x32xf32, #tpu.memory_space<vmem>>, vector<1x400x32xf32>
    %get3A_3 = vector.shape_cast %get3A_2 : vector<1x400x32xf32> to vector<400x32xf32>
    %get3A_4 = arith.constant 1 : index
    %get3A_5 = arith.constant 0 : index
    %get3A_6 = arith.constant 0 : index
    %get3A_7 = vector.load %arg1[%get3A_4, %get3A_5, %get3A_6] : memref<2x400x32xf32, #tpu.memory_space<vmem>>, vector<1x400x32xf32>
    %get3A_8 = vector.shape_cast %get3A_7 : vector<1x400x32xf32> to vector<400x32xf32>
    %add3A = arith.addf %get3A_3, %get3A_8 : vector<400x32xf32>
    %slice3A = vector.extract_strided_slice %add3A {offsets = [0, 0], sizes = [400, 16], strides = [1, 1]} : vector<400x32xf32> to vector<400x16xf32>
    %slice3A_9 = vector.extract_strided_slice %add3A {offsets = [0, 16], sizes = [400, 1], strides = [1, 1]} : vector<400x32xf32> to vector<400x1xf32>
    %slice3A_10 = vector.extract_strided_slice %add3A {offsets = [0, 17], sizes = [400, 1], strides = [1, 1]} : vector<400x32xf32> to vector<400x1xf32>
    %gt3A = arith.constant 5.000000e-01 : f32
    %gt3A_11 = vector.broadcast %gt3A : f32 to vector<400x1xf32>
    %gt3A_12 = arith.cmpf ogt, %slice3A_10, %gt3A_11 : vector<400x1xf32>
    %mul3A = arith.mulf %slice3A_9, %slice3A_10 : vector<400x1xf32>
    %jit3A = arith.constant 1.000000e+00 : f32
    %broadcast_in_dim3A = vector.broadcast %jit3A : f32 to vector<400x1xf32>
    %select_n3A = arith.select %gt3A_12, %mul3A, %broadcast_in_dim3A : vector<400x1xi1>, vector<400x1xf32>
    %div3A = vector.broadcast %select_n3A : vector<400x1xf32> to vector<400x16xf32>
    %div3A_13 = arith.divf %slice3A, %div3A : vector<400x16xf32>
    %get3A_14 = arith.constant 0 : index
    %get3A_15 = arith.constant 0 : index
    %get3A_16 = vector.load %arg3[%get3A_14, %get3A_15] : memref<16x128xf32, #tpu.memory_space<vmem>>, vector<16x128xf32>
    %dot_general3A = arith.constant dense<0.000000e+00> : vector<400x128xf32>
    %dot_general3A_17 = tpu.matmul %div3A_13, %get3A_16, %dot_general3A {dimension_numbers = #tpu.dot_dimension_numbers<[1], [0], [0], [1], [0, 0, 1, 1], [], []>, transpose_lhs_hint = false} : vector<400x16xf32>, vector<16x128xf32>, vector<400x128xf32> -> vector<400x128xf32>
    %get3A_18 = arith.constant 0 : index
    %get3A_19 = arith.constant 0 : index
    %get3A_20 = vector.load %arg2[%get3A_18, %get3A_19] : memref<400x128xf32, #tpu.memory_space<vmem>>, vector<400x128xf32>
    %get3A_21 = arith.constant 0 : index
    %get3A_22 = arith.constant 0 : index
    %get3A_23 = vector.load %arg4[%get3A_21, %get3A_22] : memref<128x128xf32, #tpu.memory_space<vmem>>, vector<128x128xf32>
    %dot_general3A_24 = arith.constant dense<0.000000e+00> : vector<400x128xf32>
    %dot_general3A_25 = tpu.matmul %get3A_20, %get3A_23, %dot_general3A_24 {dimension_numbers = #tpu.dot_dimension_numbers<[1], [0], [0], [1], [0, 0, 1, 1], [], []>, transpose_lhs_hint = false} : vector<400x128xf32>, vector<128x128xf32>, vector<400x128xf32> -> vector<400x128xf32>
    %add3A_26 = arith.addf %dot_general3A_17, %dot_general3A_25 : vector<400x128xf32>
    %get3A_27 = arith.constant 0 : index
    %get3A_28 = arith.constant 0 : index
    %get3A_29 = vector.load %arg6[%get3A_27, %get3A_28] : memref<1x128xf32, #tpu.memory_space<vmem>>, vector<1x128xf32>
    %add3A_30 = vector.broadcast %get3A_29 : vector<1x128xf32> to vector<400x128xf32>
    %add3A_31 = arith.addf %add3A_26, %add3A_30 : vector<400x128xf32>
    %max3A = arith.constant 0.000000e+00 : f32
    %max3A_32 = vector.broadcast %max3A : f32 to vector<400x128xf32>
    %max3A_33 = arith.maximumf %add3A_31, %max3A_32 : vector<400x128xf32>
    %get3A_34 = arith.constant 0 : index
    %get3A_35 = arith.constant 0 : index
    %get3A_36 = vector.load %arg5[%get3A_34, %get3A_35] : memref<128x128xf32, #tpu.memory_space<vmem>>, vector<128x128xf32>
    %dot_general3A_37 = arith.constant dense<0.000000e+00> : vector<400x128xf32>
    %dot_general3A_38 = tpu.matmul %max3A_33, %get3A_36, %dot_general3A_37 {dimension_numbers = #tpu.dot_dimension_numbers<[1], [0], [0], [1], [0, 0, 1, 1], [], []>, transpose_lhs_hint = false} : vector<400x128xf32>, vector<128x128xf32>, vector<400x128xf32> -> vector<400x128xf32>
    %get3A_39 = arith.constant 0 : index
    %get3A_40 = arith.constant 0 : index
    %get3A_41 = vector.load %arg7[%get3A_39, %get3A_40] : memref<1x128xf32, #tpu.memory_space<vmem>>, vector<1x128xf32>
    %add3A_42 = vector.broadcast %get3A_41 : vector<1x128xf32> to vector<400x128xf32>
    %add3A_43 = arith.addf %dot_general3A_38, %add3A_42 : vector<400x128xf32>
    %swap3A = arith.constant 0 : index
    %swap3A_44 = arith.constant 0 : index
    %swap3A_45 = vector.load %arg8[%swap3A, %swap3A_44] : memref<400x128xf32, #tpu.memory_space<vmem>>, vector<400x128xf32>
    tpu.vector_store %arg8[%swap3A, %swap3A_44], %add3A_43 {strides = array<i32>} : memref<400x128xf32, #tpu.memory_space<vmem>>, vector<400x128xf32>,
    return
  }
  func.func @transform_0(%arg0: i32) -> (i32, i32, i32) {
    %c0_i32 = arith.constant 0 : i32
    %c0_i32_0 = arith.constant 0 : i32
    %c0_i32_1 = arith.constant 0 : i32
    return %c0_i32, %arg0, %c0_i32_0 : i32, i32, i32
  }
  func.func @transform_1(%arg0: i32) -> (i32, i32) {
    %c0_i32 = arith.constant 0 : i32
    %c0_i32_0 = arith.constant 0 : i32
    return %arg0, %c0_i32 : i32, i32
  }
  func.func @transform_2(%arg0: i32) -> (i32, i32) {
    %c0_i32 = arith.constant 0 : i32
    %c0_i32_0 = arith.constant 0 : i32
    %c0_i32_1 = arith.constant 0 : i32
    return %c0_i32, %c0_i32_0 : i32, i32
  }
  func.func @transform_3(%arg0: i32) -> (i32, i32) {
    %c0_i32 = arith.constant 0 : i32
    %c0_i32_0 = arith.constant 0 : i32
    %c0_i32_1 = arith.constant 0 : i32
    return %c0_i32, %c0_i32_0 : i32, i32
  }
  func.func @transform_4(%arg0: i32) -> (i32, i32) {
    %c0_i32 = arith.constant 0 : i32
    %c0_i32_0 = arith.constant 0 : i32
    %c0_i32_1 = arith.constant 0 : i32
    return %c0_i32, %c0_i32_0 : i32, i32
  }
  func.func @transform_5(%arg0: i32) -> (i32, i32) {
    %c0_i32 = arith.constant 0 : i32
    %c0_i32_0 = arith.constant 0 : i32
    %c0_i32_1 = arith.constant 0 : i32
    return %c0_i32, %c0_i32_0 : i32, i32
  }
  func.func @transform_6(%arg0: i32) -> (i32, i32) {
    %c0_i32 = arith.constant 0 : i32
    %c0_i32_0 = arith.constant 0 : i32
    %c0_i32_1 = arith.constant 0 : i32
    return %c0_i32, %c0_i32_0 : i32, i32
  }
  func.func @transform_7(%arg0: i32) -> (i32, i32) {
    %c0_i32 = arith.constant 0 : i32
    %c0_i32_0 = arith.constant 0 : i32
    return %arg0, %c0_i32 : i32, i32
  }
}

</mosaic_0001>

<sc_bundles>
// kernel: kernel.10.cloned.1.call-start
scs
__scs_entry_jumppad:
0x0: {  	(pc) =	sbr.rel $0x88, $3  }
0x1: {  	(tag) =	ssettag $0x0;
	lr =	simm.s32 $0x1  }
0x2: {  	[smem:$0x3F92] =	sst lr;
	_ =	strace $0xD0000000  }
0x3: {  	_ = 	snop  }
0x4: {  	_ = 	snop  }
0x5: {  	_ = 	snop  }
0x6: {  	_ = 	snop  }
0x7: {  	_ = 	snop  }
__scs_overlays_trampoline_lowered:
0x8: {  	[smem:$0x3FA1] =	sst s0  }
0x9: {  	[smem:$0x3FA2] =	sst s1  }
0xa: {  	[smem:$0x3FA3] =	sst s2  }
0xb: {  	[smem:$0x3FA4] =	sst s3  }
0xc: {  	[smem:$0x3FA5] =	sst s4  }
0xd: {  	[smem:$0x3FA6] =	sst s5  }
0xe: {  	[smem:$0x3FA7] =	sst s6  }
0xf: {  	[smem:$0x3FA8] =	sst s7  }
0x10: {  	[smem:$0x3FA9] =	sst s8  }
0x11: {  	[smem:$0x3FAA] =	sst s9;
	s0 =	simm.s32 @!p0 $0x0  }
0x12: {  	s1 =	sld [smem:$0x3F90];
	s0 =	simm.s32 @p0 $0x1  }
0x13: {  	[smem:$0x3FAB] =	sst s0;
	s0 =	simm.s32 @!p1 $0x0  }
0x14: {  	s2 =	sld [smem:$0x3F8F];
	s0 =	simm.s32 @p1 $0x1  }
0x15: {  	[smem:$0x3FAC] =	sst s0;
	s0 =	simm.s32 @!p2 $0x0  }
0x16: {  	s3 =	sld [smem:$0x3FDB];
	s0 =	simm.s32 @p2 $0x1  }
0x17: {  	s4 =	simm.s32 $0x1BF5;
	[smem:$0x3FAE] =	sst s0  }
0x18: {  	s0 =	sld [smem:$0x3F91];
	_ =	swait.ge [sflag:s4], $0x0  }
0x19: {  	s7 =	sld [smem:$0x3F92]  }
0x1a: {  	s8 =	sadd.s32 $0xFFFFE003, lr  }
0x1b: {  	s9 =	sadd.s32 $0xFFFFFEF7, lr;
	s5 =	simm.s32 $0xFFFFFFFF;
	p2 =	slt.u32 s8, $0xFFFFF086  }
0x1c: {  	p1 =	slt.u32 s9, $0xF7A;
	s5 =	simm.s32 @!p2 $0x0  }
0x1d: {  	s5 =	simm.s32 @p1 $0x1;
	p0 =	seq.s32 s7, s2  }
0x1e: {  	s7 =	smul.u32 @!p0 $0xF7A, s2;
	p2 =	seq.s32 @!p0 s5, $0x0  }
0x1f: {  	s9 =	smul.u32 $0xF7A, s1;
	s8 =	simm.s32 @!p0 $0x1BF5;
	p2 =	por !p2, p0  }
0x20: {  	[sflag:s8] =	ssyncset.s32 @!p0 $0xFFFFF086;
	s6 =	sadd.s32 @!p0 s3, s7;
	s7 =	simm.s32 @!p0 $0x108  }
0x21: {  	s3 =	sadd.s32 s3, s9;
	s6 =	sadd.s32 @!p0 $0x88, s6;
	s7 =	simm.s32 @p2 $0x1082  }
0x22: {  	[simem:s7], [sflag:s8] =	dma.local @!p0 [hbm:s6], $0xF7A  }
0x23: {  	s9 =	sor.u32 $0xD0000000, s2;
	s6 =	simm.s32 $0x108;
	_ =	swait.ge @!p0 [sflag:s8], $0x0  }
0x24: {  	s3 =	sadd.s32 $0x88, s3;
	s6 =	simm.s32 @!p1 $0x1082;
	[sflag:s4] =	ssyncset.s32 $0xFFFFF086  }
0x25: {  	[simem:s6], [sflag:s4] =	dma.local [hbm:s3], $0xF7A  }
0x26: {  	[smem:$0x3F92] =	sst s1;
	(tag) =	ssettag s2;
	_ =	strace s9  }
0x27: {  	s1 =	sld [smem:$0x3FA2]  }
0x28: {  	s2 =	sld [smem:$0x3FA3]  }
0x29: {  	s4 =	sld [smem:$0x3FA5]  }
0x2a: {  	p0 =	seq.s32 s5, $0x0;
	s5 =	sld [smem:$0x3FA6]  }
0x2b: {  	s6 =	sld [smem:$0x3FA7]  }
0x2c: {  	s7 =	sld [smem:$0x3FA8]  }
0x2d: {  	s3 =	simm.s32 $0x108;
	s8 =	sld [smem:$0x3FA9]  }
0x2e: {  	s3 =	simm.s32 @!p0 $0x1082;
	s9 =	sld [smem:$0x3FAA]  }
0x2f: {  	lr =	sadd.s32 s0, s3;
	s0 =	sld [smem:$0x3FA1]  }
0x30: {  	s3 =	sld [smem:$0x3FA4]  }
0x31: {  	[smem:$0x3FAD] =	sst s10  }
0x32: {  	s10 =	sld [smem:$0x3FAB];
	_ =	sdelay $0x3  }
0x33: {  	p0 =	seq.s32 s10, $0x1;
	s10 =	sld [smem:$0x3FAD];
	_ =	sdelay $0x3  }
0x34: {  	[smem:$0x3FAD] =	sst s10  }
0x35: {  	s10 =	sld [smem:$0x3FAC];
	_ =	sdelay $0x3  }
0x36: {  	p1 =	seq.s32 s10, $0x1;
	s10 =	sld [smem:$0x3FAD];
	_ =	sdelay $0x3  }
0x37: {  	[smem:$0x3FAD] =	sst s10  }
0x38: {  	s10 =	sld [smem:$0x3FAE]  }
0x39: {  	_ = 	snop;
	(pc) =	sbr.ind lr, $3  }
0x3a: {  	_ = 	snop  }
0x3b: {  	_ = 	snop  }
0x3c: {  	p2 =	seq.s32 s10, $0x1;
	s10 =	sld [smem:$0x3FAD]  }
0x3d: {  	_ =	shalt  }
0x3e: {  	_ =	shalt  }
0x3f: {  	_ =	shalt  }
0x40: {  	_ =	shalt  }
0x41: {  	_ =	shalt  }
0x42: {  	_ =	shalt  }
0x43: {  	_ =	shalt  }
0x44: {  	_ =	shalt  }
0x45: {  	_ =	shalt  }
0x46: {  	_ =	shalt  }
0x47: {  	_ =	shalt  }
0x48: {  	_ =	shalt  }
0x49: {  	_ =	shalt  }
0x4a: {  	_ =	shalt  }
0x4b: {  	_ =	shalt  }
0x4c: {  	_ =	shalt  }
0x4d: {  	_ =	shalt  }
0x4e: {  	_ =	shalt  }
0x4f: {  	_ =	shalt  }
0x50: {  	_ =	shalt  }
0x51: {  	_ =	shalt  }
0x52: {  	_ =	shalt  }
0x53: {  	_ =	shalt  }
0x54: {  	_ =	shalt  }
0x55: {  	_ =	shalt  }
0x56: {  	_ =	shalt  }
0x57: {  	_ =	shalt  }
0x58: {  	_ =	shalt  }
0x59: {  	_ =	shalt  }
0x5a: {  	_ =	shalt  }
0x5b: {  	_ =	shalt  }
0x5c: {  	_ =	shalt  }
0x5d: {  	_ =	shalt  }
0x5e: {  	_ =	shalt  }
0x5f: {  	_ =	shalt  }
0x60: {  	_ =	shalt  }
0x61: {  	_ =	shalt  }
0x62: {  	_ =	shalt  }
0x63: {  	_ =	shalt  }
0x64: {  	_ =	shalt  }
0x65: {  	_ =	shalt  }
0x66: {  	_ =	shalt  }
0x67: {  	_ =	shalt  }
0x68: {  	_ =	shalt  }
0x69: {  	_ =	shalt  }
0x6a: {  	_ =	shalt  }
0x6b: {  	_ =	shalt  }
0x6c: {  	_ =	shalt  }
0x6d: {  	_ =	shalt  }
0x6e: {  	_ =	shalt  }
0x6f: {  	_ =	shalt  }
0x70: {  	_ =	shalt  }
0x71: {  	_ =	shalt  }
0x72: {  	_ =	shalt  }
0x73: {  	_ =	shalt  }
0x74: {  	_ =	shalt  }
0x75: {  	_ =	shalt  }
0x76: {  	_ =	shalt  }
0x77: {  	_ =	shalt  }
0x78: {  	_ =	shalt  }
0x79: {  	_ =	shalt  }
0x7a: {  	_ =	shalt  }
0x7b: {  	_ =	shalt  }
0x7c: {  	_ =	shalt  }
0x7d: {  	_ =	shalt  }
0x7e: {  	_ =	shalt  }
0x7f: {  	_ =	shalt  }
0x80: {  	_ =	shalt  }
0x81: {  	_ =	shalt  }
0x82: {  	_ =	shalt  }
0x83: {  	_ =	shalt  }
0x84: {  	_ =	shalt  }
0x85: {  	_ =	shalt  }
0x86: {  	_ =	shalt  }
0x87: {  	_ =	shalt  }
.Lfunc_end0:
.L_simem_size_0:
called_computation.1_lowered:
.L_overlay_start_0:
0x88: {  	s2 =	sld [smem:$0x3FD9]  }
0x89: {  	s3 =	sld [smem:$0x3FFE];
	_ =	sdelay $0x1  }
0x8a: {  	s1 =	srdreg.scid  }
0x8b: {  	s0 =	sand.u32 $0x1, s1  }
0x8c: {  	s14 =	sshll.u32 s0, $0xA;
	s2 =	sadd.s32 s3, s2  }
0x8d: {  	s2 =	sadd.s32 s2, s14  }
0x8e: {  	[smem:$0x3FB9] =	sst s2  }
0x8f: {  	_ = 	snop  }
0x90: {  	s2 =	sld [smem:$0x3FD0];
	_ =	sdelay $0x2  }
0x91: {  	s15 =	simm.s32 $0xA;
	s4 =	simm.s32 $0x10  }
0x92: {  	[smem:s4], [sflag:s15] =	dma.local [hbm:s2], $0x1  }
0x93: {  	_ =	swait.eq [sflag:s15], $0x1  }
0x94: {  	[sflag:s15] =	ssyncset.done $0x0  }
0x95: {  	[sflag:s15] =	ssyncadd.s32 $0xFFFFFFFF  }
0x96: {  	s16 =	sld [smem:$0x10];
	(tm) =	ssettm $0x1  }
0x97: {  	s17 =	sld [smem:$0x3FFB];
	_ =	sdelay $0x3  }
0x98: {  	_ =	strace s17  }
0x99: {  	s3 =	sld [smem:$0x3FFC];
	_ =	sdelay $0x3  }
0x9a: {  	_ =	strace s3  }
0x9b: {  	s3 =	sld [smem:$0x3FFD];
	_ =	sdelay $0x3  }
0x9c: {  	_ =	strace s3  }
0x9d: {  	_ =	strace $0x8FFFFFFF  }
0x9e: {  	s18 =	sld [smem:$0x3FDB];
	_ =	sdelay $0x1  }
0x9f: {  	s19 =	simm.s32 $_scs_section_size  }
0xa0: {  	s5 =	simm.s32 $_size__tile_overlayer_lowered;
	s6 =	simm.s32 $_tile_overlayer_lowered  }
0xa1: {  	s22 =	simm.s32 $0x1BFF;
	s21 =	sshll.u32 s6, $0x1;
	s3 =	sadd.s32 s19, s18  }
0xa2: {  	s7 =	simm.s32 $0x0;
	s20 =	sshll.u32 s5, $0x1;
	s5 =	sadd.s32 s21, s3  }
0xa3: {  	[timem:s7], [sflag:s22] =	dma.local [hbm:s5], s20  }
0xa4: {  	_ =	swait.ge [sflag:s22], s20  }
0xa5: {  	s4 =	ssub.s32 $0x0, s20;
	[sflag:s22] =	ssyncset.done $0x0  }
0xa6: {  	[sflag:s22] =	ssyncadd.s32 s4;
	_ =	sdelay $0x1  }
0xa7: {  	s23 =	simm.s32 $0x1B8B  }
0xa8: {  	_ =	swait.ge [sflag:s23], $0x1  }
0xa9: {  	[sflag:s23] =	ssyncset.done $0x0  }
0xaa: {  	s25 =	simm.s32 $0x1B8E;
	s24 =	sld [smem:$0x3FFE];
	[sflag:s23] =	ssyncadd.s32 $0xFFFFFFFF  }
0xab: {  	s26 =	simm.s32 $execute0_lowered;
	[smem:$0x3FD2] =	sst s25  }
0xac: {  	s5 =	sshll.u32 s26, $0x1;
	_ =	strace $0x80000049;
	[dreg:$0x1] =	wrdreg $0xFFFFFFFF  }
0xad: {  	s28 =	simm.s32 $_size_execute0_lowered;
	s3 =	sadd.s32 s3, s5;
	[dreg:$0x0] =	wrdreg $0x0  }
0xae: {  	s5 =	sshll.u32 s28, $0x1;
	[dreg:$0x2] =	wrdreg s3  }
0xaf: {  	[dreg:$0x3] =	wrdreg s5  }
0xb0: {  	[dreg:$0x4] =	wrdreg $0xC0  }
0xb1: {  	_ =	task [dreg:s7], $0x5FFFF  }
0xb2: {  	[dreg:$0x1] =	wrdreg $0xFFFFFFFF  }
0xb3: {  	[dreg:$0x0] =	wrdreg $0x60  }
0xb4: {  	[dreg:$0x2] =	wrdreg s24  }
0xb5: {  	[dreg:$0x3] =	wrdreg s16  }
0xb6: {  	[dreg:$0x4] =	wrdreg $0x8CA00  }
0xb7: {  	[dreg:$0x5] =	wrdreg $0x9  }
0xb8: {  	_ =	task.clear_ibuf [dreg:s7], $0x6FFFF;
	_ =	strace $0x90000049  }
0xb9: {  	s29 =	simm.s32 $0x9;
	_ =	strace $0x8000004B  }
0xba: {  	_ =	swait.ge [sflag:s29], $0x1  }
0xbb: {  	[sflag:s29] =	ssyncadd.s32 $0xFFFFFFFF  }
0xbc: {  	_ =	strace $0x9000004B  }
0xbd: {  	_ =	sfence  }
0xbe: {  	s30 =	sld [smem:$0x0];
	_ =	sdelay $0x2  }
0xbf: {  	s31 =	sshll.u32 s1, $0xD;
	s1 =	sshrl.u32 s1, $0x2  }
0xc0: {  	s3 =	sand.u32 $0x4000, s31;
	s1 =	sadd.s32 s1, s30  }
0xc1: {  	s0 =	sor.u32 s3, s0;
	s1 =	sshll.u32 s1, $0x11  }
0xc2: {  	s0 =	sor.u32 s1, s0  }
0xc3: {  	s0 =	sadd.s32 $0x8F2B, s0  }
0xc4: {  	[sflag:s0] =	ssyncadd.remote.s32 $0x1  }
0xc5: {  	_ =	sfence.sel $0xFFFF  }
0xc6: {  	[dreg:$0x0] =	wrdreg $0xFFFFFFFF;
	(pc) =	sbr.abs _section_cstart, $3  }
0xc7: {  	[dreg:$0x1] =	wrdreg $0xFFFFFFFF  }
0xc8: {  	_ =	task.clear_ibuf [dreg:s7], $0x2FFFF;
	_ =	strace $0x9FFFFFFF  }
0xc9: {  	(tm) =	ssettm $0x7FFFFFFF  }
tec
execute0_lowered:
.L_overlay_start_1:
0x0: {  	(tag) =	ssettag $0x1  }
0x1: {  	s0 =	rddreg [dreg:$0x0]  }
0x2: {  	s1 =	srdreg.scid;
	s3 =	rddreg [dreg:$0x1]  }
0x3: {  	s12 =	stileid.u32;
	s2 =	rddreg [dreg:$0x2]  }
0x4: {  	s6 =	simm.s32 $0x0;
	s29 =	simm.s32 $0x5AA0;
	s30 =	simm.s32 $0x6720  }
0x5: {  	s31 =	simm.s32 $0x73A0;
	s1 =	sand.u32 $0x1, s1;
	s7 =	smul.u32 $0x5000, s12  }
0x6: {  	s4 =	sshll.u32 s12, $0x1;
	[smem:$0x7FF] =	sst s6;
	s26 =	smul.u32 $0x13880, s12  }
0x7: {  	s8 =	sadd.s32 $0x13AAE00, s0;
	s18 =	sadd.s32 $0x4B000, s2;
	s15 =	smul.u32 $0x4E200, s1  }
0x8: {  	s4 =	sor.u32 s1, s4;
	s9 =	ssub.s32 $0x2, s1;
	s1 =	smul.u32 $0x9C40, s1  }
0x9: {  	p0 =	seq.s32 s12, $0xF;
	_ =	strace $0x8000004A;
	s5 =	smul.u32 $0x514, s4  }
0xa: {  	[dreg:$0x6] =	wrdreg s18;
	s10 =	sshrl.u32 s9, $0x1;
	s4 =	smul.u32 $0x4E200, s4  }
0xb: {  	s28 =	sadd.s32 s26, s8;
	s26 =	simm.s32 $0x0;
	s11 =	sadd.s32 s7, s15  }
0xc: {  	s9 =	ssub.s32 s9, s10;
	s7 =	sadd.s32 s7, s2;
	s6 =	sshrl.u32 s15, $0x3  }
0xd: {  	s5 =	sadd.s32 s5, s0;
	s0 =	sadd.s32 $0x4C00, s0;
	s17 =	sshrl.u32 s11, $0x3  }
0xe: {  	[dreg:$0x4] =	wrdreg s7;
	s6 =	sadd.s32 $0x9600, s6;
	s16 =	sadd.s32 s3, s17  }
0xf: {  	s4 =	sshrl.u32 s4, $0x3;
	s3 =	sadd.s32 s3, s6;
	[dreg:$0x5] =	wrdreg s16  }
0x10: {  	s7 =	sadd.s32 s8, s4;
	s19 =	sadd.s32 $0xEBEA00, s5;
	[dreg:$0x7] =	wrdreg s3  }
0x11: {  	s17 =	sadd.s32 s0, s17;
	[dreg:$0x8] =	wrdreg s19;
	s20 =	sadd.s32 $0x4, s7  }
0x12: {  	s18 =	sadd.s32 s0, s6;
	s21 =	sadd.s32 $0x8, s7;
	[dreg:$0x9] =	wrdreg s20  }
0x13: {  	s0 =	simm.s32 $0x3;
	s22 =	sadd.s32 $0xC, s7;
	[dreg:$0xa] =	wrdreg s21  }
0x14: {  	s23 =	sadd.s32 $0x640, s7;
	s24 =	sadd.s32 $0x644, s7;
	[dreg:$0xb] =	wrdreg s22  }
.Ltmp0:
0x15: {  	s25 =	sadd.s32 $0x648, s7;
	[dreg:$0xc] =	wrdreg s23;
	(pc) =	sbr.rel .LBB2_1-.Ltmp0, $4  }
0x16: {  	s16 =	sadd.s32 $0x64C, s7;
	s19 =	smax.u32 s9, $0x1;
	[dreg:$0xd] =	wrdreg s24  }
0x17: {  	s3 =	simm.s32 $0x4;
	[dreg:$0xe] =	wrdreg s25;
	s20 =	sadd.s32 s1, s28  }
0x18: {  	s21 =	simm.s32 $0x5;
	s22 =	simm.s32 $0x20;
	s23 =	simm.s32 $0x80  }
0x19: {  	s1 =	simm.s32 $0x8020;
	s24 =	simm.s32 $0x2;
	s25 =	simm.s32 $0x64  }
.LBB2_5:
0x1a: {  	_ =	swait.ge [sflag:s3], $0xC80  }
0x1b: {  	[sflag:s3] =	ssyncset.done $0x0  }
0x1c: {  	[sflag:s3] =	ssyncadd.s32 $0xFFFFF380  }
0x1d: {  	_ =	swait.ge [sflag:s3], $0xC80  }
0x1e: {  	[sflag:s3] =	ssyncset.done $0x0  }
0x1f: {  	[sflag:s3] =	ssyncadd.s32 $0xFFFFF380  }
0x20: {  	_ =	swait.ge [sflag:s3], $0xC80  }
0x21: {  	[sflag:s3] =	ssyncset.done $0x0  }
0x22: {  	[sflag:s3] =	ssyncadd.s32 $0xFFFFF380  }
0x23: {  	_ =	swait.ge [sflag:s3], $0xC80  }
0x24: {  	[sflag:s3] =	ssyncset.done $0x0  }
0x25: {  	[sflag:s3] =	ssyncadd.s32 $0xFFFFF380  }
0x26: {  	_ =	swait.ge [sflag:s0], $0xC80  }
0x27: {  	[sflag:s0] =	ssyncset.done $0x0  }
0x28: {  	[sflag:s0] =	ssyncadd.s32 $0xFFFFF380  }
0x29: {  	_ =	swait.ge [sflag:s0], $0xC80  }
0x2a: {  	[sflag:s0] =	ssyncset.done $0x0  }
0x2b: {  	[sflag:s0] =	ssyncadd.s32 $0xFFFFF380  }
0x2c: {  	_ =	swait.ge [sflag:s0], $0xC80  }
0x2d: {  	[sflag:s0] =	ssyncset.done $0x0  }
0x2e: {  	[sflag:s0] =	ssyncadd.s32 $0xFFFFF380  }
0x2f: {  	_ =	swait.ge [sflag:s0], $0xC80  }
0x30: {  	[sflag:s0] =	ssyncset.done $0x0  }
0x31: {  	[sflag:s0] =	ssyncadd.s32 $0xFFFFF380  }
0x32: {  	s6 =	simm.s32 @p0 $0x1FC5;
	[bflag:$0x0] =	sbarrier.arrive $0xFFFF  }
0x33: {  	[hbm:s18], [sflag:s6] =	dma.local @p0 [spmem:s28], $0x640  }
0x34: {  	s6 =	simm.s32 @p0 $0x5  }
0x35: {  	_ =	swait.ge @p0 [sflag:s6], $0x640  }
0x36: {  	s26 =	sadd.s32 $0x1, s26;
	[sflag:s6] =	ssyncset.done @p0 $0x0  }
0x37: {  	p1 =	sne.s32 s26, s19;
	[sflag:s6] =	ssyncadd.s32 @p0 $0xFFFFF9C0  }
0x38: {  	[hbm:s17], [sflag:s4] =	dma.local @!p0 [spmem:s5], $0xA00  }
.Ltmp1:
0x39: {  	_ = 	snop;
	(pc) =	sbr.rel @!p1 .LBB2_6-.Ltmp1, $4  }
0x3a: {  	s4 =	simm.s32 @!p0 $0x5  }
0x3b: {  	_ =	swait.ge @!p0 [sflag:s4], $0xA00  }
0x3c: {  	[sflag:s4] =	ssyncset.done @!p0 $0x0  }
0x3d: {  	[sflag:s4] =	ssyncadd.s32 @!p0 $0xFFFFF600  }
.LBB2_1:
0x3e: {  	s4 =	rddreg [dreg:$0x6]  }
0x3f: {  	s5 =	rddreg [dreg:$0x7];
	s28 =	sshrl.u32 @p0 s4, $0x3;
	s4 =	simm.s32 @p0 $0x1FC5  }
0x40: {  	[spmem:s28], [sflag:s4] =	dma.local @p0 [hbm:s5], $0x640  }
0x41: {  	s4 =	simm.s32 @p0 $0x5  }
0x42: {  	s5 =	stileid.u32;
	_ =	swait.ge @p0 [sflag:s4], $0x640  }
0x43: {  	s5 =	sshll.u32 @!p0 s5, $0x6;
	[sflag:s4] =	ssyncset.done @p0 $0x0  }
0x44: {  	[sflag:s4] =	ssyncadd.s32 @p0 $0xFFFFF9C0;
	s4 =	sor.u32 @!p0 $0x1C05, s5;
	s5 =	rddreg [dreg:$0x4]  }
0x45: {  	s6 =	rddreg [dreg:$0x5];
	s5 =	sshrl.u32 @!p0 s5, $0x3  }
0x46: {  	[spmem:s5], [sflag:s4] =	dma.local @!p0 [hbm:s6], $0xA00  }
0x47: {  	s6 =	simm.s32 @!p0 $0x5  }
0x48: {  	_ =	swait.ge @!p0 [sflag:s6], $0xA00  }
0x49: {  	[sflag:s6] =	ssyncset.done @!p0 $0x0  }
0x4a: {  	s12 =	simm.s32 $0x0;
	s8 =	rddreg [dreg:$0x8];
	[sflag:s6] =	ssyncadd.s32 @!p0 $0xFFFFF600  }
0x4b: {  	[tilespmem:s12], [sflag:$0x5] =	stream.linear.gather [hbm4b:s8+s12], $0x28A0, $0x38;
	[tilespmem:$0xDAC0] =	vst v63  }
0x4c: {  	_ =	swait.ge [sflag:s21], $0x28A0  }
0x4d: {  	[sflag:s21] =	ssyncset.done $0x0  }
0x4e: {  	[sflag:s21] =	ssyncadd.s32 $0xFFFFD760  }
0x4f: {  	s13 =	simm.s32 $0x28A0;
	[bflag:$0x0] =	sbarrier.arrive $0xFFFF  }
0x50: {  	[tilespmem:s13], [sflag:$0x1] =	stream.strided.gather [hbm4b:s7+s22], $0xC80, s23, s22, $0x38;
	[tilespmem:$0xDAC0] =	vst v63  }
0x51: {  	s15 =	simm.s32 $0x3520;
	s14 =	rddreg [dreg:$0x9]  }
0x52: {  	[tilespmem:s15], [sflag:$0x1] =	stream.strided.gather [hbm4b:s14+s22], $0xC80, s23, s22, $0x38;
	[tilespmem:$0xDAC0] =	vst v63  }
0x53: {  	s10 =	simm.s32 $0x41A0;
	s9 =	rddreg [dreg:$0xa]  }
0x54: {  	[tilespmem:s10], [sflag:$0x1] =	stream.strided.gather [hbm4b:s9+s22], $0xC80, s23, s22, $0x38;
	[tilespmem:$0xDAC0] =	vst v63  }
0x55: {  	s12 =	simm.s32 $0x4E20;
	s11 =	rddreg [dreg:$0xb]  }
0x56: {  	[tilespmem:s12], [sflag:$0x1] =	stream.strided.gather [hbm4b:s11+s22], $0xC80, s23, s22, $0x38;
	[tilespmem:$0xDAC0] =	vst v63  }
0x57: {  	s13 =	rddreg [dreg:$0xc]  }
0x58: {  	[tilespmem:s29], [sflag:$0x2] =	stream.strided.gather [hbm4b:s13+s22], $0xC80, s23, s22, $0x38;
	[tilespmem:$0xDAC0] =	vst v63  }
0x59: {  	s14 =	rddreg [dreg:$0xd]  }
0x5a: {  	[tilespmem:s30], [sflag:$0x2] =	stream.strided.gather [hbm4b:s14+s22], $0xC80, s23, s22, $0x38;
	[tilespmem:$0xDAC0] =	vst v63  }
.Ltmp2:
0x5b: {  	_ = 	snop;
	(pc) =	sbr.rel .LBB2_2-.Ltmp2, $4  }
0x5c: {  	s15 =	rddreg [dreg:$0xe]  }
0x5d: {  	[tilespmem:s31], [sflag:$0x2] =	stream.strided.gather [hbm4b:s15+s22], $0xC80, s23, s22, $0x38;
	[tilespmem:$0xDAC0] =	vst v63  }
0x5e: {  	s6 =	simm.s32 $0x0;
	s8 =	simm.s32 $0x0;
	s9 =	simm.s32 $0x0  }
0x5f: {  	[tilespmem:s1], [sflag:$0x2] =	stream.strided.gather [hbm4b:s16+s22], $0xC80, s23, s22, $0x38;
	[tilespmem:$0xDAC0] =	vst v63  }
.LBB2_4:
0x60: {  	s8 =	sadd.s32 $0x640, s8  }
0x61: {  	p1 =	sne.s32 s8, $0x9C40  }
.Ltmp3:
0x62: {  	_ = 	snop;
	(pc) =	sbr.rel @!p1 .LBB2_5-.Ltmp3, $2  }
0x63: {  	_ =	sdelay $0x2  }
0x64: {  	s9 =	sadd.s32 $0x1, s9;
	s6 =	sadd.s32 $0x1A0, s6  }
.LBB2_2:
0x65: {  	s10 =	sand.u32 $0x1, s9  }
0x66: {  	p1 =	seq.s32 s10, $0x1  }
0x67: {  	s11 =	simm.s32 @!p1 $0x1  }
0x68: {  	_ =	swait.ge @!p1 [sflag:s11], $0xC80  }
0x69: {  	[sflag:s11] =	ssyncset.done @!p1 $0x0  }
0x6a: {  	[sflag:s11] =	ssyncadd.s32 @!p1 $0xFFFFF380  }
0x6b: {  	_ =	swait.ge @!p1 [sflag:s11], $0xC80  }
0x6c: {  	[sflag:s11] =	ssyncset.done @!p1 $0x0  }
0x6d: {  	[sflag:s11] =	ssyncadd.s32 @!p1 $0xFFFFF380  }
0x6e: {  	_ =	swait.ge @!p1 [sflag:s11], $0xC80  }
0x6f: {  	[sflag:s11] =	ssyncset.done @!p1 $0x0  }
0x70: {  	[sflag:s11] =	ssyncadd.s32 @!p1 $0xFFFFF380  }
0x71: {  	_ =	swait.ge @!p1 [sflag:s11], $0xC80  }
0x72: {  	[sflag:s11] =	ssyncset.done @!p1 $0x0  }
0x73: {  	s12 =	simm.s32 @!p1 $0x28A0;
	[sflag:s11] =	ssyncadd.s32 @!p1 $0xFFFFF380;
	s11 =	simm.s32 @!p1 $0x64  }
0x74: {  	[spmem:s2] =	stream.indirect.scatter.add.f32 @!p1 [tilespmem:s12], [sflag:$0x3], $0x20, s6, s11, $0xb8;
	[tilespmem:$0xDAC0] =	vst v63  }
0x75: {  	s13 =	simm.s32 @!p1 $0x3520;
	s12 =	sadd.s32 @!p1 $0x68, s6  }
0x76: {  	[spmem:s2] =	stream.indirect.scatter.add.f32 @!p1 [tilespmem:s13], [sflag:$0x3], $0x20, s12, s11, $0xb8;
	[tilespmem:$0xDAC0] =	vst v63  }
0x77: {  	p2 =	sgt.u32 @!p1 s9, $0x16;
	s12 =	sadd.s32 @!p1 $0xD0, s6;
	s13 =	simm.s32 @!p1 $0x41A0  }
0x78: {  	[spmem:s2] =	stream.indirect.scatter.add.f32 @!p1 [tilespmem:s13], [sflag:$0x3], $0x20, s12, s11, $0xb8;
	[tilespmem:$0xDAC0] =	vst v63  }
0x79: {  	p2 =	por p2, p1;
	s12 =	sadd.s32 @!p1 $0x138, s6;
	s13 =	simm.s32 @!p1 $0x4E20  }
0x7a: {  	[spmem:s2] =	stream.indirect.scatter.add.f32 @!p1 [tilespmem:s13], [sflag:$0x3], $0x20, s12, s11, $0xb8;
	[tilespmem:$0xDAC0] =	vst v63  }
0x7b: {  	s11 =	simm.s32 @!p2 $0x3  }
0x7c: {  	_ =	swait.ge @!p2 [sflag:s11], $0xC80  }
0x7d: {  	[sflag:s11] =	ssyncset.done @!p2 $0x0  }
0x7e: {  	[sflag:s11] =	ssyncadd.s32 @!p2 $0xFFFFF380  }
0x7f: {  	_ =	swait.ge @!p2 [sflag:s11], $0xC80  }
0x80: {  	[sflag:s11] =	ssyncset.done @!p2 $0x0  }
0x81: {  	[sflag:s11] =	ssyncadd.s32 @!p2 $0xFFFFF380  }
0x82: {  	_ =	swait.ge @!p2 [sflag:s11], $0xC80  }
0x83: {  	[sflag:s11] =	ssyncset.done @!p2 $0x0  }
0x84: {  	[sflag:s11] =	ssyncadd.s32 @!p2 $0xFFFFF380  }
0x85: {  	s14 =	simm.s32 @!p2 $0x80;
	_ =	swait.ge @!p2 [sflag:s11], $0xC80  }
0x86: {  	s15 =	simm.s32 @!p2 $0x28A0;
	s12 =	sadd.s32 @!p2 s8, s20;
	[sflag:s11] =	ssyncset.done @!p2 $0x0  }
0x87: {  	s13 =	simm.s32 @!p2 $0x20;
	[sflag:s11] =	ssyncadd.s32 @!p2 $0xFFFFF380;
	s11 =	sadd.s32 @!p2 $0xC80, s12  }
0x88: {  	[tilespmem:s15], [sflag:$0x1] =	stream.strided.gather @!p2 [hbm4b:s11+s13], $0xC80, s14, s13, $0x38;
	[tilespmem:$0xDAC0] =	vst v63  }
0x89: {  	s11 =	sadd.s32 @!p2 $0xC84, s12;
	s15 =	simm.s32 @!p2 $0x3520  }
0x8a: {  	[tilespmem:s15], [sflag:$0x1] =	stream.strided.gather @!p2 [hbm4b:s11+s13], $0xC80, s14, s13, $0x38;
	[tilespmem:$0xDAC0] =	vst v63  }
0x8b: {  	s11 =	sadd.s32 @!p2 $0xC88, s12;
	s15 =	simm.s32 @!p2 $0x41A0  }
0x8c: {  	[tilespmem:s15], [sflag:$0x1] =	stream.strided.gather @!p2 [hbm4b:s11+s13], $0xC80, s14, s13, $0x38;
	[tilespmem:$0xDAC0] =	vst v63  }
0x8d: {  	s11 =	sadd.s32 @!p2 $0xC8C, s12;
	s12 =	simm.s32 @!p2 $0x4E20  }
0x8e: {  	[tilespmem:s12], [sflag:$0x1] =	stream.strided.gather @!p2 [hbm4b:s11+s13], $0xC80, s14, s13, $0x38;
	[tilespmem:$0xDAC0] =	vst v63  }
0x8f: {  	p2 =	seq.s32 @!p1 s10, $0x0  }
0x90: {  	p1 =	por p1, !p2  }
.Ltmp4:
0x91: {  	_ = 	snop;
	(pc) =	sbr.rel @!p1 .LBB2_4-.Ltmp4, $1  }
0x92: {  	_ =	sdelay $0x3  }
0x93: {  	_ =	swait.ge [sflag:s24], $0xC80  }
0x94: {  	[sflag:s24] =	ssyncset.done $0x0  }
0x95: {  	[sflag:s24] =	ssyncadd.s32 $0xFFFFF380  }
0x96: {  	_ =	swait.ge [sflag:s24], $0xC80  }
0x97: {  	[sflag:s24] =	ssyncset.done $0x0  }
0x98: {  	[sflag:s24] =	ssyncadd.s32 $0xFFFFF380  }
0x99: {  	_ =	swait.ge [sflag:s24], $0xC80  }
0x9a: {  	[sflag:s24] =	ssyncset.done $0x0  }
0x9b: {  	[sflag:s24] =	ssyncadd.s32 $0xFFFFF380  }
0x9c: {  	_ =	swait.ge [sflag:s24], $0xC80  }
0x9d: {  	[sflag:s24] =	ssyncset.done $0x0  }
0x9e: {  	[sflag:s24] =	ssyncadd.s32 $0xFFFFF380  }
0x9f: {  	[spmem:s2] =	stream.indirect.scatter.add.f32 [tilespmem:s29], [sflag:$0x4], $0x20, s6, s25, $0xb8;
	[tilespmem:$0xDAC0] =	vst v63  }
0xa0: {  	s10 =	sadd.s32 $0x68, s6  }
0xa1: {  	[spmem:s2] =	stream.indirect.scatter.add.f32 [tilespmem:s30], [sflag:$0x4], $0x20, s10, s25, $0xb8;
	[tilespmem:$0xDAC0] =	vst v63  }
0xa2: {  	s14 =	sadd.s32 $0xD0, s6;
	p1 =	sgt.u32 s9, $0x16  }
0xa3: {  	[spmem:s2] =	stream.indirect.scatter.add.f32 [tilespmem:s31], [sflag:$0x4], $0x20, s14, s25, $0xb8;
	[tilespmem:$0xDAC0] =	vst v63  }
0xa4: {  	s15 =	sadd.s32 $0x138, s6;
	s10 =	simm.s32 @!p1 $0x4  }
0xa5: {  	[spmem:s2] =	stream.indirect.scatter.add.f32 [tilespmem:s1], [sflag:$0x4], $0x20, s15, s25, $0xb8;
	[tilespmem:$0xDAC0] =	vst v63  }
0xa6: {  	_ =	swait.ge @!p1 [sflag:s10], $0xC80  }
0xa7: {  	[sflag:s10] =	ssyncset.done @!p1 $0x0  }
0xa8: {  	[sflag:s10] =	ssyncadd.s32 @!p1 $0xFFFFF380  }
0xa9: {  	_ =	swait.ge @!p1 [sflag:s10], $0xC80  }
0xaa: {  	[sflag:s10] =	ssyncset.done @!p1 $0x0  }
0xab: {  	[sflag:s10] =	ssyncadd.s32 @!p1 $0xFFFFF380  }
0xac: {  	_ =	swait.ge @!p1 [sflag:s10], $0xC80  }
0xad: {  	[sflag:s10] =	ssyncset.done @!p1 $0x0  }
0xae: {  	[sflag:s10] =	ssyncadd.s32 @!p1 $0xFFFFF380  }
0xaf: {  	s11 =	sadd.s32 @!p1 s8, s20;
	_ =	swait.ge @!p1 [sflag:s10], $0xC80  }
0xb0: {  	s12 =	simm.s32 @!p1 $0x20;
	s13 =	simm.s32 @!p1 $0x80;
	[sflag:s10] =	ssyncset.done @!p1 $0x0  }
0xb1: {  	s14 =	simm.s32 @!p1 $0x5AA0;
	[sflag:s10] =	ssyncadd.s32 @!p1 $0xFFFFF380;
	s10 =	sadd.s32 @!p1 $0xC80, s11  }
0xb2: {  	[tilespmem:s14], [sflag:$0x2] =	stream.strided.gather @!p1 [hbm4b:s10+s12], $0xC80, s13, s12, $0x38;
	[tilespmem:$0xDAC0] =	vst v63  }
0xb3: {  	s10 =	sadd.s32 @!p1 $0xC84, s11;
	s14 =	simm.s32 @!p1 $0x6720  }
0xb4: {  	[tilespmem:s14], [sflag:$0x2] =	stream.strided.gather @!p1 [hbm4b:s10+s12], $0xC80, s13, s12, $0x38;
	[tilespmem:$0xDAC0] =	vst v63  }
.Ltmp5:
0xb5: {  	_ = 	snop;
	(pc) =	sbr.rel .LBB2_4-.Ltmp5, $4  }
0xb6: {  	s10 =	sadd.s32 @!p1 $0xC88, s11;
	s14 =	simm.s32 @!p1 $0x73A0  }
0xb7: {  	[tilespmem:s14], [sflag:$0x2] =	stream.strided.gather @!p1 [hbm4b:s10+s12], $0xC80, s13, s12, $0x38;
	[tilespmem:$0xDAC0] =	vst v63  }
0xb8: {  	s10 =	sadd.s32 @!p1 $0xC8C, s11;
	s11 =	simm.s32 @!p1 $0x8020  }
0xb9: {  	[tilespmem:s11], [sflag:$0x2] =	stream.strided.gather @!p1 [hbm4b:s10+s12], $0xC80, s13, s12, $0x38;
	[tilespmem:$0xDAC0] =	vst v63  }
.LBB2_6:
0xba: {  	_ =	sfence.sel $0x180000  }
0xbb: {  	[bflag:$0x0] =	sbarrier.arrive $0xFFFF  }
0xbc: {  	_ =	strace $0x9000004A  }
0xbd: {  	s0 =	stileid.u32;
	[bflag:$0x2] =	sbarrier.arrive $0xFFFF  }
0xbe: {  	p0 =	sne.s32 s0, $0x0;
	s0 =	rddreg [dreg:$0x3]  }
0xbf: {  	s0 =	sadd.s32 @!p0 $0x100000, s0  }
0xc0: {  	[sflag:s0] =	ssyncadd.tile.s32 @!p0 $0x1;
	_ =	shalt  }
.Lfunc_end2:
_tile_overlayer_lowered:
.L_overlay_start_2:
0xc1: {  	(tag) =	ssettag $0x2  }
0xc2: {  	s0 =	rddreg [dreg:$0x0];
	s2 =	stileid.u32  }
0xc3: {  	s1 =	rddreg [dreg:$0x1];
	p0 =	sne.s32 s2, $0x0  }
0xc4: {  	s3 =	rddreg [dreg:$0x2];
	[bflag:$0x3] =	sbarrier.arrive $0xFFFF;
	s2 =	simm.s32 @!p0 $0x1C05  }
0xc5: {  	[timem:s3], [sflag:s2] =	dma.local @!p0 [hbm:s0], s1  }
0xc6: {  	s0 =	simm.s32 @!p0 $0x5  }
0xc7: {  	_ =	swait.ge @!p0 [sflag:s0], s1  }
0xc8: {  	s1 =	ssub.s32 @!p0 $0x0, s1;
	[sflag:s0] =	ssyncset.done @!p0 $0x0  }
0xc9: {  	[sflag:s0] =	ssyncadd.s32 @!p0 s1  }
0xca: {  	[bflag:$0x3] =	sbarrier.arrive $0xFFFF  }
0xcb: {  	_ =	shalt  }

// kernel: kernel.7.cloned.1.call-start
scs
__scs_entry_jumppad:
0x0: {  	(pc) =	sbr.rel $0x88, $3  }
0x1: {  	(tag) =	ssettag $0x0;
	lr =	simm.s32 $0x1  }
0x2: {  	[smem:$0x3F92] =	sst lr;
	_ =	strace $0xD0000000  }
0x3: {  	_ = 	snop  }
0x4: {  	_ = 	snop  }
0x5: {  	_ = 	snop  }
0x6: {  	_ = 	snop  }
0x7: {  	_ = 	snop  }
__scs_overlays_trampoline_lowered:
0x8: {  	[smem:$0x3FA1] =	sst s0  }
0x9: {  	[smem:$0x3FA2] =	sst s1  }
0xa: {  	[smem:$0x3FA3] =	sst s2  }
0xb: {  	[smem:$0x3FA4] =	sst s3  }
0xc: {  	[smem:$0x3FA5] =	sst s4  }
0xd: {  	[smem:$0x3FA6] =	sst s5  }
0xe: {  	[smem:$0x3FA7] =	sst s6  }
0xf: {  	[smem:$0x3FA8] =	sst s7  }
0x10: {  	[smem:$0x3FA9] =	sst s8  }
0x11: {  	[smem:$0x3FAA] =	sst s9;
	s0 =	simm.s32 @!p0 $0x0  }
0x12: {  	s1 =	sld [smem:$0x3F90];
	s0 =	simm.s32 @p0 $0x1  }
0x13: {  	[smem:$0x3FAB] =	sst s0;
	s0 =	simm.s32 @!p1 $0x0  }
0x14: {  	s2 =	sld [smem:$0x3F8F];
	s0 =	simm.s32 @p1 $0x1  }
0x15: {  	[smem:$0x3FAC] =	sst s0;
	s0 =	simm.s32 @!p2 $0x0  }
0x16: {  	s3 =	sld [smem:$0x3FDB];
	s0 =	simm.s32 @p2 $0x1  }
0x17: {  	s4 =	simm.s32 $0x1BF5;
	[smem:$0x3FAE] =	sst s0  }
0x18: {  	s0 =	sld [smem:$0x3F91];
	_ =	swait.ge [sflag:s4], $0x0  }
0x19: {  	s7 =	sld [smem:$0x3F92]  }
0x1a: {  	s8 =	sadd.s32 $0xFFFFE003, lr  }
0x1b: {  	s9 =	sadd.s32 $0xFFFFFEF7, lr;
	s5 =	simm.s32 $0xFFFFFFFF;
	p2 =	slt.u32 s8, $0xFFFFF086  }
0x1c: {  	p1 =	slt.u32 s9, $0xF7A;
	s5 =	simm.s32 @!p2 $0x0  }
0x1d: {  	s5 =	simm.s32 @p1 $0x1;
	p0 =	seq.s32 s7, s2  }
0x1e: {  	s7 =	smul.u32 @!p0 $0xF7A, s2;
	p2 =	seq.s32 @!p0 s5, $0x0  }
0x1f: {  	s9 =	smul.u32 $0xF7A, s1;
	s8 =	simm.s32 @!p0 $0x1BF5;
	p2 =	por !p2, p0  }
0x20: {  	[sflag:s8] =	ssyncset.s32 @!p0 $0xFFFFF086;
	s6 =	sadd.s32 @!p0 s3, s7;
	s7 =	simm.s32 @!p0 $0x108  }
0x21: {  	s3 =	sadd.s32 s3, s9;
	s6 =	sadd.s32 @!p0 $0x88, s6;
	s7 =	simm.s32 @p2 $0x1082  }
0x22: {  	[simem:s7], [sflag:s8] =	dma.local @!p0 [hbm:s6], $0xF7A  }
0x23: {  	s9 =	sor.u32 $0xD0000000, s2;
	s6 =	simm.s32 $0x108;
	_ =	swait.ge @!p0 [sflag:s8], $0x0  }
0x24: {  	s3 =	sadd.s32 $0x88, s3;
	s6 =	simm.s32 @!p1 $0x1082;
	[sflag:s4] =	ssyncset.s32 $0xFFFFF086  }
0x25: {  	[simem:s6], [sflag:s4] =	dma.local [hbm:s3], $0xF7A  }
0x26: {  	[smem:$0x3F92] =	sst s1;
	(tag) =	ssettag s2;
	_ =	strace s9  }
0x27: {  	s1 =	sld [smem:$0x3FA2]  }
0x28: {  	s2 =	sld [smem:$0x3FA3]  }
0x29: {  	s4 =	sld [smem:$0x3FA5]  }
0x2a: {  	p0 =	seq.s32 s5, $0x0;
	s5 =	sld [smem:$0x3FA6]  }
0x2b: {  	s6 =	sld [smem:$0x3FA7]  }
0x2c: {  	s7 =	sld [smem:$0x3FA8]  }
0x2d: {  	s3 =	simm.s32 $0x108;
	s8 =	sld [smem:$0x3FA9]  }
0x2e: {  	s3 =	simm.s32 @!p0 $0x1082;
	s9 =	sld [smem:$0x3FAA]  }
0x2f: {  	lr =	sadd.s32 s0, s3;
	s0 =	sld [smem:$0x3FA1]  }
0x30: {  	s3 =	sld [smem:$0x3FA4]  }
0x31: {  	[smem:$0x3FAD] =	sst s10  }
0x32: {  	s10 =	sld [smem:$0x3FAB];
	_ =	sdelay $0x3  }
0x33: {  	p0 =	seq.s32 s10, $0x1;
	s10 =	sld [smem:$0x3FAD];
	_ =	sdelay $0x3  }
0x34: {  	[smem:$0x3FAD] =	sst s10  }
0x35: {  	s10 =	sld [smem:$0x3FAC];
	_ =	sdelay $0x3  }
0x36: {  	p1 =	seq.s32 s10, $0x1;
	s10 =	sld [smem:$0x3FAD];
	_ =	sdelay $0x3  }
0x37: {  	[smem:$0x3FAD] =	sst s10  }
0x38: {  	s10 =	sld [smem:$0x3FAE]  }
0x39: {  	_ = 	snop;
	(pc) =	sbr.ind lr, $3  }
0x3a: {  	_ = 	snop  }
0x3b: {  	_ = 	snop  }
0x3c: {  	p2 =	seq.s32 s10, $0x1;
	s10 =	sld [smem:$0x3FAD]  }
0x3d: {  	_ =	shalt  }
0x3e: {  	_ =	shalt  }
0x3f: {  	_ =	shalt  }
0x40: {  	_ =	shalt  }
0x41: {  	_ =	shalt  }
0x42: {  	_ =	shalt  }
0x43: {  	_ =	shalt  }
0x44: {  	_ =	shalt  }
0x45: {  	_ =	shalt  }
0x46: {  	_ =	shalt  }
0x47: {  	_ =	shalt  }
0x48: {  	_ =	shalt  }
0x49: {  	_ =	shalt  }
0x4a: {  	_ =	shalt  }
0x4b: {  	_ =	shalt  }
0x4c: {  	_ =	shalt  }
0x4d: {  	_ =	shalt  }
0x4e: {  	_ =	shalt  }
0x4f: {  	_ =	shalt  }
0x50: {  	_ =	shalt  }
0x51: {  	_ =	shalt  }
0x52: {  	_ =	shalt  }
0x53: {  	_ =	shalt  }
0x54: {  	_ =	shalt  }
0x55: {  	_ =	shalt  }
0x56: {  	_ =	shalt  }
0x57: {  	_ =	shalt  }
0x58: {  	_ =	shalt  }
0x59: {  	_ =	shalt  }
0x5a: {  	_ =	shalt  }
0x5b: {  	_ =	shalt  }
0x5c: {  	_ =	shalt  }
0x5d: {  	_ =	shalt  }
0x5e: {  	_ =	shalt  }
0x5f: {  	_ =	shalt  }
0x60: {  	_ =	shalt  }
0x61: {  	_ =	shalt  }
0x62: {  	_ =	shalt  }
0x63: {  	_ =	shalt  }
0x64: {  	_ =	shalt  }
0x65: {  	_ =	shalt  }
0x66: {  	_ =	shalt  }
0x67: {  	_ =	shalt  }
0x68: {  	_ =	shalt  }
0x69: {  	_ =	shalt  }
0x6a: {  	_ =	shalt  }
0x6b: {  	_ =	shalt  }
0x6c: {  	_ =	shalt  }
0x6d: {  	_ =	shalt  }
0x6e: {  	_ =	shalt  }
0x6f: {  	_ =	shalt  }
0x70: {  	_ =	shalt  }
0x71: {  	_ =	shalt  }
0x72: {  	_ =	shalt  }
0x73: {  	_ =	shalt  }
0x74: {  	_ =	shalt  }
0x75: {  	_ =	shalt  }
0x76: {  	_ =	shalt  }
0x77: {  	_ =	shalt  }
0x78: {  	_ =	shalt  }
0x79: {  	_ =	shalt  }
0x7a: {  	_ =	shalt  }
0x7b: {  	_ =	shalt  }
0x7c: {  	_ =	shalt  }
0x7d: {  	_ =	shalt  }
0x7e: {  	_ =	shalt  }
0x7f: {  	_ =	shalt  }
0x80: {  	_ =	shalt  }
0x81: {  	_ =	shalt  }
0x82: {  	_ =	shalt  }
0x83: {  	_ =	shalt  }
0x84: {  	_ =	shalt  }
0x85: {  	_ =	shalt  }
0x86: {  	_ =	shalt  }
0x87: {  	_ =	shalt  }
.Lfunc_end0:
.L_simem_size_0:
called_computation_lowered:
.L_overlay_start_0:
0x88: {  	s2 =	sld [smem:$0x3FD9]  }
0x89: {  	s3 =	sld [smem:$0x3FFE];
	_ =	sdelay $0x1  }
0x8a: {  	s1 =	srdreg.scid  }
0x8b: {  	s0 =	sand.u32 $0x1, s1  }
0x8c: {  	s14 =	sshll.u32 s0, $0xA;
	s2 =	sadd.s32 s3, s2  }
0x8d: {  	s2 =	sadd.s32 s2, s14  }
0x8e: {  	[smem:$0x3FB9] =	sst s2  }
0x8f: {  	_ = 	snop  }
0x90: {  	s2 =	sld [smem:$0x3FD0];
	_ =	sdelay $0x2  }
0x91: {  	s15 =	simm.s32 $0xA;
	s4 =	simm.s32 $0x10  }
0x92: {  	[smem:s4], [sflag:s15] =	dma.local [hbm:s2], $0x1  }
0x93: {  	_ =	swait.eq [sflag:s15], $0x1  }
0x94: {  	[sflag:s15] =	ssyncset.done $0x0  }
0x95: {  	s16 =	sld [smem:$0x10];
	[sflag:s15] =	ssyncadd.s32 $0xFFFFFFFF  }
0x96: {  	s17 =	sld [smem:$0x11];
	(tm) =	ssettm $0x1  }
0x97: {  	s18 =	sld [smem:$0x3FFB];
	_ =	sdelay $0x3  }
0x98: {  	_ =	strace s18  }
0x99: {  	s4 =	sld [smem:$0x3FFC];
	_ =	sdelay $0x3  }
0x9a: {  	_ =	strace s4  }
0x9b: {  	s4 =	sld [smem:$0x3FFD];
	_ =	sdelay $0x3  }
0x9c: {  	_ =	strace s4  }
0x9d: {  	_ =	strace $0x8FFFFFFF  }
0x9e: {  	s19 =	sld [smem:$0x3FDB];
	_ =	sdelay $0x1  }
0x9f: {  	s5 =	simm.s32 $_scs_section_size  }
0xa0: {  	s6 =	simm.s32 $_size__tile_overlayer_lowered;
	s7 =	simm.s32 $_tile_overlayer_lowered  }
0xa1: {  	s22 =	simm.s32 $0x1BFF;
	s21 =	sshll.u32 s7, $0x1;
	s4 =	sadd.s32 s5, s19  }
0xa2: {  	s8 =	simm.s32 $0x0;
	s20 =	sshll.u32 s6, $0x1;
	s6 =	sadd.s32 s21, s4  }
0xa3: {  	[timem:s8], [sflag:s22] =	dma.local [hbm:s6], s20  }
0xa4: {  	_ =	swait.ge [sflag:s22], s20  }
0xa5: {  	s5 =	ssub.s32 $0x0, s20;
	[sflag:s22] =	ssyncset.done $0x0  }
0xa6: {  	[sflag:s22] =	ssyncadd.s32 s5;
	_ =	sdelay $0x1  }
0xa7: {  	s23 =	simm.s32 $0x1B8B  }
0xa8: {  	_ =	swait.ge [sflag:s23], $0x1  }
0xa9: {  	[sflag:s23] =	ssyncset.done $0x0  }
0xaa: {  	s25 =	simm.s32 $0x1B8E;
	s24 =	sld [smem:$0x3FFE];
	[sflag:s23] =	ssyncadd.s32 $0xFFFFFFFF  }
0xab: {  	s26 =	simm.s32 $execute0_lowered;
	[smem:$0x3FD2] =	sst s25  }
0xac: {  	s6 =	sshll.u32 s26, $0x1;
	_ =	strace $0x80000046;
	[dreg:$0x1] =	wrdreg $0xFFFFFFFF  }
0xad: {  	s28 =	simm.s32 $_size_execute0_lowered;
	s4 =	sadd.s32 s4, s6;
	[dreg:$0x0] =	wrdreg $0x0  }
0xae: {  	s6 =	sshll.u32 s28, $0x1;
	[dreg:$0x2] =	wrdreg s4  }
0xaf: {  	[dreg:$0x3] =	wrdreg s6  }
0xb0: {  	[dreg:$0x4] =	wrdreg $0xC0  }
0xb1: {  	_ =	task [dreg:s8], $0x5FFFF  }
0xb2: {  	[dreg:$0x1] =	wrdreg $0xFFFFFFFF  }
0xb3: {  	[dreg:$0x0] =	wrdreg $0x60  }
0xb4: {  	[dreg:$0x2] =	wrdreg s16  }
0xb5: {  	[dreg:$0x3] =	wrdreg s17  }
0xb6: {  	[dreg:$0x4] =	wrdreg s24  }
0xb7: {  	[dreg:$0x5] =	wrdreg $0x9  }
0xb8: {  	_ =	task.clear_ibuf [dreg:s8], $0x6FFFF;
	_ =	strace $0x90000046  }
0xb9: {  	s29 =	simm.s32 $0x9;
	_ =	strace $0x80000048  }
0xba: {  	_ =	swait.ge [sflag:s29], $0x1  }
0xbb: {  	[sflag:s29] =	ssyncadd.s32 $0xFFFFFFFF  }
0xbc: {  	_ =	strace $0x90000048  }
0xbd: {  	_ =	sfence  }
0xbe: {  	s30 =	sld [smem:$0x0];
	_ =	sdelay $0x2  }
0xbf: {  	s31 =	sshll.u32 s1, $0xD;
	s1 =	sshrl.u32 s1, $0x2  }
0xc0: {  	s3 =	sand.u32 $0x4000, s31;
	s1 =	sadd.s32 s1, s30  }
0xc1: {  	s0 =	sor.u32 s3, s0;
	s1 =	sshll.u32 s1, $0x11  }
0xc2: {  	s0 =	sor.u32 s1, s0  }
0xc3: {  	s0 =	sadd.s32 $0x8F2B, s0  }
0xc4: {  	[sflag:s0] =	ssyncadd.remote.s32 $0x1  }
0xc5: {  	_ =	sfence.sel $0xFFFF  }
0xc6: {  	[dreg:$0x0] =	wrdreg $0xFFFFFFFF;
	(pc) =	sbr.abs _section_cstart, $3  }
0xc7: {  	[dreg:$0x1] =	wrdreg $0xFFFFFFFF  }
0xc8: {  	_ =	task.clear_ibuf [dreg:s8], $0x2FFFF;
	_ =	strace $0x9FFFFFFF  }
0xc9: {  	(tm) =	ssettm $0x7FFFFFFF  }
tec
execute0_lowered:
.L_overlay_start_1:
0x0: {  	(tag) =	ssettag $0x1  }
0x1: {  	s1 =	rddreg [dreg:$0x0]  }
0x2: {  	s0 =	srdreg.scid;
	s3 =	rddreg [dreg:$0x1]  }
0x3: {  	s10 =	stileid.u32;
	s7 =	rddreg [dreg:$0x2]  }
0x4: {  	s4 =	simm.s32 $0x0;
	s13 =	simm.s32 $0x9;
	s14 =	simm.s32 $0x2780  }
0x5: {  	s15 =	simm.s32 $0x50;
	s18 =	simm.s32 $0x7700;
	s20 =	simm.s32 $0xC700  }
0x6: {  	s21 =	simm.s32 $0x6;
	s22 =	simm.s32 $0x5;
	s23 =	simm.s32 $0x8  }
0x7: {  	s24 =	simm.s32 $0x7;
	s25 =	simm.s32 $0x2;
	s26 =	simm.s32 $0x4  }
0x8: {  	s0 =	sand.u32 $0x1, s0;
	s2 =	sshll.u32 s10, $0x1;
	s10 =	smul.u32 $0x4E200, s10  }
0x9: {  	s2 =	sor.u32 s0, s2;
	s8 =	ssub.s32 $0x2, s0;
	s0 =	smul.u32 $0x27100, s0  }
0xa: {  	s28 =	simm.s32 $0x0;
	[smem:$0x7FF] =	sst s4;
	s5 =	smul.u32 $0x2710, s2  }
.Ltmp0:
0xb: {  	s6 =	sadd.s32 $0x18800, s7;
	_ =	strace $0x80000047;
	(pc) =	sbr.rel .LBB2_1-.Ltmp0, $4  }
0xc: {  	s9 =	sshrl.u32 s8, $0x1;
	s12 =	sadd.s32 s10, s6;
	s2 =	sshrl.u32 s5, $0x3  }
0xd: {  	s11 =	ssub.s32 s8, s9;
	s2 =	sadd.s32 s2, s7;
	s7 =	sadd.s32 $0x4FA800, s7  }
0xe: {  	s12 =	sadd.s32 s0, s12;
	s8 =	sadd.s32 $0x4C00, s2;
	s31 =	sadd.s32 s10, s7  }
0xf: {  	s9 =	sadd.s32 $0xEA00, s2;
	s10 =	smax.u32 s11, $0x1;
	s2 =	sadd.s32 s0, s31  }
.LBB2_5:
0x10: {  	_ =	swait.ge [sflag:s21], $0x2800  }
0x11: {  	[sflag:s21] =	ssyncset.done $0x0  }
0x12: {  	[sflag:s21] =	ssyncadd.s32 $0xFFFFD800  }
0x13: {  	_ =	swait.ge [sflag:s22], $0x2800  }
0x14: {  	[sflag:s22] =	ssyncset.done $0x0  }
0x15: {  	s28 =	sadd.s32 $0x1, s28;
	[sflag:s22] =	ssyncadd.s32 $0xFFFFD800  }
0x16: {  	p0 =	sne.s32 s28, s10;
	_ =	swait.ge [sflag:s23], $0x2800  }
.Ltmp1:
0x17: {  	[sflag:s23] =	ssyncset.done $0x0;
	(pc) =	sbr.rel @!p0 .LBB2_6-.Ltmp1, $4  }
0x18: {  	[sflag:s23] =	ssyncadd.s32 $0xFFFFD800  }
0x19: {  	_ =	swait.ge [sflag:s24], $0x2800  }
0x1a: {  	[sflag:s24] =	ssyncset.done $0x0  }
0x1b: {  	[sflag:s24] =	ssyncadd.s32 $0xFFFFD800  }
.LBB2_1:
0x1c: {  	[tilespmem:s4], [sflag:$0x9] =	stream.linear.gather [hbm4b:s8+s4], $0x2710, $0x38;
	[tilespmem:$0xEF00] =	vst v63  }
0x1d: {  	_ =	swait.ge [sflag:s13], $0x2710  }
0x1e: {  	[sflag:s13] =	ssyncset.done $0x0  }
0x1f: {  	[sflag:s13] =	ssyncadd.s32 $0xFFFFD8F0  }
0x20: {  	[tilespmem:s14], [sflag:$0x9] =	stream.linear.gather [hbm4b:s9+s4], $0x2710, $0x38;
	[tilespmem:$0xEF00] =	vst v63  }
0x21: {  	_ =	swait.ge [sflag:s13], $0x2710  }
0x22: {  	[sflag:s13] =	ssyncset.done $0x0  }
0x23: {  	s0 =	simm.s32 $0x4F00;
	[sflag:s13] =	ssyncadd.s32 $0xFFFFD8F0  }
0x24: {  	[tilespmem:s0], [sflag:$0x1] =	stream.indirect.gather [hbm4b:s1+s15], $0x80, s4, s15, $0xb8;
	[tilespmem:$0xEF00] =	vst v63  }
0x25: {  	s17 =	simm.s32 $0x9F00  }
0x26: {  	[tilespmem:s17], [sflag:$0x3] =	stream.indirect.gather [hbm4b:s3+s15], $0x80, s14, s15, $0xb8;
	[tilespmem:$0xEF00] =	vst v63  }
.Ltmp2:
0x27: {  	_ = 	snop;
	(pc) =	sbr.rel .LBB2_2-.Ltmp2, $4  }
0x28: {  	s19 =	simm.s32 $0x27D0;
	s29 =	simm.s32 $0xA0;
	s30 =	simm.s32 $0x2820  }
0x29: {  	[tilespmem:s18], [sflag:$0x2] =	stream.indirect.gather [hbm4b:s1+s15], $0x80, s15, s15, $0xb8;
	[tilespmem:$0xEF00] =	vst v63  }
0x2a: {  	s31 =	smov.u32 s12;
	s11 =	smov.u32 s2;
	s0 =	simm.s32 $0x0  }
0x2b: {  	[tilespmem:s20], [sflag:$0x4] =	stream.indirect.gather [hbm4b:s3+s15], $0x80, s19, s15, $0xb8;
	[tilespmem:$0xEF00] =	vst v63  }
.LBB2_4:
0x2c: {  	s0 =	sadd.s32 $0x1, s0  }
0x2d: {  	p0 =	sne.s32 s0, $0x7D  }
.Ltmp3:
0x2e: {  	_ = 	snop;
	(pc) =	sbr.rel @!p0 .LBB2_5-.Ltmp3, $3  }
0x2f: {  	_ =	sdelay $0x1  }
0x30: {  	s11 =	sadd.s32 $0x500, s11  }
0x31: {  	s31 =	sadd.s32 $0x500, s31;
	s29 =	sadd.s32 $0x50, s29;
	s30 =	sadd.s32 $0x50, s30  }
.LBB2_2:
0x32: {  	s16 =	sand.u32 $0x1, s0  }
0x33: {  	p0 =	seq.s32 s16, $0x1  }
0x34: {  	s17 =	simm.s32 @!p0 $0x1  }
0x35: {  	_ =	swait.ge @!p0 [sflag:s17], $0x2800  }
0x36: {  	[sflag:s17] =	ssyncset.done @!p0 $0x0  }
0x37: {  	s19 =	simm.s32 @!p0 $0x4F00;
	[sflag:s17] =	ssyncadd.s32 @!p0 $0xFFFFD800;
	s17 =	simm.s32 @!p0 $0x0  }
0x38: {  	[hbm4b:s31+s17] =	stream.linear.scatter @!p0 [tilespmem:s19], [sflag:$0x5], $0x2800, $0x38;
	[tilespmem:$0xEF00] =	vst v63  }
0x39: {  	s19 =	simm.s32 @!p0 $0x3  }
0x3a: {  	_ =	swait.ge @!p0 [sflag:s19], $0x2800  }
0x3b: {  	p1 =	sgt.u32 @!p0 s0, $0x7A;
	[sflag:s19] =	ssyncset.done @!p0 $0x0  }
0x3c: {  	p1 =	por p1, p0;
	[sflag:s19] =	ssyncadd.s32 @!p0 $0xFFFFD800;
	s19 =	simm.s32 @!p0 $0x9F00  }
0x3d: {  	[hbm4b:s11+s17] =	stream.linear.scatter @!p0 [tilespmem:s19], [sflag:$0x7], $0x2800, $0x38;
	[tilespmem:$0xEF00] =	vst v63  }
0x3e: {  	s17 =	simm.s32 @!p1 $0x5  }
0x3f: {  	_ =	swait.ge @!p1 [sflag:s17], $0x2800  }
0x40: {  	[sflag:s17] =	ssyncset.done @!p1 $0x0  }
0x41: {  	[sflag:s17] =	ssyncadd.s32 @!p1 $0xFFFFD800;
	s17 =	simm.s32 @!p1 $0x7  }
0x42: {  	_ =	swait.ge @!p1 [sflag:s17], $0x2800  }
0x43: {  	[sflag:s17] =	ssyncset.done @!p1 $0x0  }
0x44: {  	s19 =	simm.s32 @!p1 $0x4F00;
	[sflag:s17] =	ssyncadd.s32 @!p1 $0xFFFFD800;
	s17 =	simm.s32 @!p1 $0x50  }
0x45: {  	[tilespmem:s19], [sflag:$0x1] =	stream.indirect.gather @!p1 [hbm4b:s1+s17], $0x80, s29, s17, $0xb8;
	[tilespmem:$0xEF00] =	vst v63  }
0x46: {  	s19 =	simm.s32 @!p1 $0x9F00  }
0x47: {  	[tilespmem:s19], [sflag:$0x3] =	stream.indirect.gather @!p1 [hbm4b:s3+s17], $0x80, s30, s17, $0xb8;
	[tilespmem:$0xEF00] =	vst v63  }
0x48: {  	p1 =	seq.s32 @!p0 s16, $0x0  }
0x49: {  	p1 =	por p0, !p1  }
.Ltmp4:
0x4a: {  	_ = 	snop;
	(pc) =	sbr.rel @!p1 .LBB2_4-.Ltmp4, $1  }
0x4b: {  	_ =	sdelay $0x3  }
0x4c: {  	s16 =	smul.u32 @!p0 $0x50, s0;
	_ =	sdelay $0x1  }
0x4d: {  	s16 =	sadd.s32 @!p0 s5, s16  }
0x4e: {  	_ =	swait.ge [sflag:s25], $0x2800;
	s16 =	sshll.u32 @!p0 s16, $0x4  }
0x4f: {  	[sflag:s25] =	ssyncset.done $0x0;
	s17 =	sadd.s32 @!p0 s6, s16  }
0x50: {  	[sflag:s25] =	ssyncadd.s32 $0xFFFFD800;
	s17 =	smov.u32 @p0 s31  }
0x51: {  	[hbm4b:s17+s4] =	stream.linear.scatter [tilespmem:s18], [sflag:$0x6], $0x2800, $0x38;
	[tilespmem:$0xEF00] =	vst v63  }
0x52: {  	_ =	swait.ge [sflag:s26], $0x2800  }
0x53: {  	s16 =	sadd.s32 @!p0 s7, s16;
	[sflag:s26] =	ssyncset.done $0x0  }
0x54: {  	s16 =	smov.u32 @p0 s11;
	p0 =	sgt.u32 s0, $0x7A;
	[sflag:s26] =	ssyncadd.s32 $0xFFFFD800  }
0x55: {  	[hbm4b:s16+s4] =	stream.linear.scatter [tilespmem:s20], [sflag:$0x8], $0x2800, $0x38;
	[tilespmem:$0xEF00] =	vst v63  }
0x56: {  	s16 =	simm.s32 @!p0 $0x6  }
0x57: {  	_ =	swait.ge @!p0 [sflag:s16], $0x2800  }
0x58: {  	[sflag:s16] =	ssyncset.done @!p0 $0x0  }
0x59: {  	[sflag:s16] =	ssyncadd.s32 @!p0 $0xFFFFD800;
	s16 =	simm.s32 @!p0 $0x8  }
0x5a: {  	_ =	swait.ge @!p0 [sflag:s16], $0x2800  }
.Ltmp5:
0x5b: {  	[sflag:s16] =	ssyncset.done @!p0 $0x0;
	(pc) =	sbr.rel .LBB2_4-.Ltmp5, $4  }
0x5c: {  	s17 =	simm.s32 @!p0 $0x7700;
	[sflag:s16] =	ssyncadd.s32 @!p0 $0xFFFFD800;
	s16 =	simm.s32 @!p0 $0x50  }
0x5d: {  	[tilespmem:s17], [sflag:$0x2] =	stream.indirect.gather @!p0 [hbm4b:s1+s16], $0x80, s29, s16, $0xb8;
	[tilespmem:$0xEF00] =	vst v63  }
0x5e: {  	s17 =	simm.s32 @!p0 $0xC700  }
0x5f: {  	[tilespmem:s17], [sflag:$0x4] =	stream.indirect.gather @!p0 [hbm4b:s3+s16], $0x80, s30, s16, $0xb8;
	[tilespmem:$0xEF00] =	vst v63  }
.LBB2_6:
0x60: {  	_ =	sfence.sel $0x180000  }
0x61: {  	[bflag:$0x0] =	sbarrier.arrive $0xFFFF  }
0x62: {  	_ =	strace $0x90000047  }
0x63: {  	s0 =	stileid.u32;
	[bflag:$0x2] =	sbarrier.arrive $0xFFFF  }
0x64: {  	p0 =	sne.s32 s0, $0x0;
	s0 =	rddreg [dreg:$0x3]  }
0x65: {  	s0 =	sadd.s32 @!p0 $0x100000, s0  }
0x66: {  	[sflag:s0] =	ssyncadd.tile.s32 @!p0 $0x1;
	_ =	shalt  }
.Lfunc_end2:
_tile_overlayer_lowered:
.L_overlay_start_2:
0x67: {  	(tag) =	ssettag $0x2  }
0x68: {  	s0 =	rddreg [dreg:$0x0];
	s2 =	stileid.u32  }
0x69: {  	s1 =	rddreg [dreg:$0x1];
	p0 =	sne.s32 s2, $0x0  }
0x6a: {  	s3 =	rddreg [dreg:$0x2];
	[bflag:$0x3] =	sbarrier.arrive $0xFFFF;
	s2 =	simm.s32 @!p0 $0x1C09  }
0x6b: {  	[timem:s3], [sflag:s2] =	dma.local @!p0 [hbm:s0], s1  }
0x6c: {  	s0 =	simm.s32 @!p0 $0x9  }
0x6d: {  	_ =	swait.ge @!p0 [sflag:s0], s1  }
0x6e: {  	s1 =	ssub.s32 @!p0 $0x0, s1;
	[sflag:s0] =	ssyncset.done @!p0 $0x0  }
0x6f: {  	[sflag:s0] =	ssyncadd.s32 @!p0 s1  }
0x70: {  	[bflag:$0x3] =	sbarrier.arrive $0xFFFF  }
0x71: {  	_ =	shalt  }

</sc_bundles>
